<compile_context>
chip_gen: v7x
topology: tpu7x:2x2x1
jax: 0.10.2.dev20260603
libtpu: 0.0.44.dev20260713+nightly
codegen_flags: <defaults>
</compile_context>

<pallas_src>
import functools

import jax
import jax.numpy as jnp
from jax import lax
from jax.experimental import pallas as pl
from jax.experimental.pallas import tpu as pltpu
from jax.experimental.pallas import tpu_sc as plsc

B = 16384
TAU = 5
_NUM_CORES = 1
_NUM_SUBCORES = 16
_NW = _NUM_CORES * _NUM_SUBCORES
_BPW = B // _NW
_LANES = 16
_BLK_W = _BPW // 128

_mesh = plsc.VectorSubcoreMesh(core_axis_name="c", subcore_axis_name="s", num_cores=1)


@functools.partial(
    pl.kernel,
    mesh=_mesh,
    out_type=jax.ShapeDtypeStruct((2 * B // 128, 128), jnp.float32),
    scratch_types=[
        pltpu.VMEM((_BPW,), jnp.int32),
        pltpu.VMEM((2 * _BLK_W, 128), jnp.float32),
    ],
    compiler_params=pltpu.CompilerParams(
        needs_layout_passes=False,
        skip_device_barrier=True,
    ),
)
def _router(it_hbm, out_hbm, it_v, out_v):
    wid = lax.axis_index("s") * _NUM_CORES + lax.axis_index("c")
    base = wid * _BPW
    pltpu.sync_copy(it_hbm.at[pl.ds(base, _BPW)], it_v)

    for blk in range(_BLK_W):
        for k in range(128 // _LANES):
            x = it_v[pl.ds(128 * blk + _LANES * k, _LANES)]
            n = x + 1
            q = (n.astype(jnp.float32) * (1.0 / TAU) + 0.5).astype(jnp.int32)
            hit = (q * TAU == n).astype(jnp.float32)
            out_v[2 * blk, pl.ds(_LANES * k, _LANES)] = 1.0 - hit
            out_v[2 * blk + 1, pl.ds(_LANES * k, _LANES)] = hit

    pltpu.sync_copy(out_v, out_hbm.at[pl.ds(wid * 2 * _BLK_W, 2 * _BLK_W), :])


def kernel(iteration):
    blocked = _router(iteration.astype(jnp.int32))
    return blocked.reshape(B // 128, 2, 128).transpose(0, 2, 1).reshape(B, 2)

# --- scband reference (transcript-rebuilt; emitter-appended) ---
"""Pipeline reference for scband-hintsrouter-17446157156431 (READ-ONLY COPY).

The authoritative reference and input builder live on the scoring server;
editing this copy changes nothing except your own understanding.
"""

import jax, jax.numpy as jnp
import numpy as np

TAU = 5
NUM_SOLVERS = 2

def setup_inputs(seed: int = 0) -> dict:
    key = jax.random.key(seed)
    iteration = jax.random.randint(key, (16384,), 0, 100000, dtype=jnp.int64)
    return {"iteration": iteration}

def reference(iteration):
    B = iteration.shape[0]
    # indices = (remainder(iteration + 1, tau) == 0) + 0
    indices = (jnp.remainder(iteration + 1, TAU) == 0).astype(jnp.int32)
    score = jnp.zeros((B, NUM_SOLVERS), dtype=jnp.float32)
    # score[arange(B), indices] = 1.0  -> scatter-overwrite
    score = score.at[jnp.arange(B), indices].set(1.0)
    return score

if __name__ == "__main__":
    import jax
    _d = setup_inputs()
    print(jax.jit(kernel)(*tuple(_d.values())))

</pallas_src>

<mosaic_0001>
#map = affine_map<(d0, d1) -> (0)>
#map1 = affine_map<(d0, d1) -> (0, 0)>
module attributes {stable_mosaic.version = 14 : i64} {
  func.func @_router(%arg0: i32, %arg1: i32, %arg2: memref<16384xi32, #tpu.memory_space<hbm>>, %arg3: memref<256x128xf32, #tpu.memory_space<hbm>>, %arg4: memref<1024xi32, #tpu.memory_space<vmem>>, %arg5: memref<16x128xf32, #tpu.memory_space<vmem>>) attributes {dimension_semantics = [#tpu.dimension_semantics<core_parallel>, #tpu.dimension_semantics<subcore_parallel>], iteration_bounds = array<i64: 1, 16>, scalar_prefetch = 0 : i64, scratch_operands = 2 : i64, tpu.core_type = #tpu.core_type<sc_vector_subcore>, window_params = [{transform_indices = #map}, {transform_indices = #map1}]} {
    %mul3A = arith.constant 1 : i32
    %mul3A_0 = arith.muli %arg1, %mul3A : i32
    %add3A = arith.addi %mul3A_0, %arg0 : i32
    %mul3A_1 = arith.constant 1024 : i32
    %mul3A_2 = arith.muli %add3A, %mul3A_1 : i32
    "tpu.region"() ({
      %run_scoped3A = tpu.sem_alloc : memref<!tpu.dma_semaphore, #tpu.memory_space<semaphore_mem>>
      %dma_start3A = tpu.memref_slice %arg2[%mul3A_2] : memref<16384xi32, #tpu.memory_space<hbm>> -> memref<1024xi32, #tpu.memory_space<hbm>>
      %dma_start3A_1922 = tpu.memref_slice %arg2[%mul3A_2] : memref<16384xi32, #tpu.memory_space<hbm>> -> memref<1024xi32, #tpu.memory_space<hbm>>
      tpu.enqueue_dma source(%dma_start3A_1922 : memref<1024xi32, #tpu.memory_space<hbm>>) target(%arg4 : memref<1024xi32, #tpu.memory_space<vmem>>) target_semaphore(%run_scoped3A : memref<!tpu.dma_semaphore, #tpu.memory_space<semaphore_mem>>)
      %dma_wait3A = tpu.memref_slice %arg2[%mul3A_2] : memref<16384xi32, #tpu.memory_space<hbm>> -> memref<1024xi32, #tpu.memory_space<hbm>>
      %dma_wait3A_1923 = tpu.memref_slice %arg2[%mul3A_2] : memref<16384xi32, #tpu.memory_space<hbm>> -> memref<1024xi32, #tpu.memory_space<hbm>>
      tpu.wait_dma2 semaphore(%run_scoped3A : memref<!tpu.dma_semaphore, #tpu.memory_space<semaphore_mem>>) src(%dma_wait3A_1923 : memref<1024xi32, #tpu.memory_space<hbm>>) dst(%arg4 : memref<1024xi32, #tpu.memory_space<vmem>>)
      tpu.yield
    }) : () -> ()
    %get3A = arith.constant 0 : index
    %get3A_3 = tpu.vector_load %arg4[%get3A] {strides = array<i32>} : memref<1024xi32, #tpu.memory_space<vmem>>, vector<16xi32>,
    %add3A_4 = arith.constant 1 : i32
    %add3A_5 = vector.broadcast %add3A_4 : i32 to vector<16xi32>
    %add3A_6 = arith.addi %get3A_3, %add3A_5 : vector<16xi32>
    %convert_element_type3A = arith.sitofp %add3A_6 : vector<16xi32> to vector<16xf32>
    %mul3A_7 = arith.constant 2.000000e-01 : f32
    %mul3A_8 = vector.broadcast %mul3A_7 : f32 to vector<16xf32>
    %mul3A_9 = arith.mulf %convert_element_type3A, %mul3A_8 : vector<16xf32>
    %add3A_10 = arith.constant 5.000000e-01 : f32
    %add3A_11 = vector.broadcast %add3A_10 : f32 to vector<16xf32>
    %add3A_12 = arith.addf %mul3A_9, %add3A_11 : vector<16xf32>
    %convert_element_type3A_13 = arith.fptosi %add3A_12 : vector<16xf32> to vector<16xi32>
    %mul3A_14 = arith.constant 5 : i32
    %mul3A_15 = vector.broadcast %mul3A_14 : i32 to vector<16xi32>
    %mul3A_16 = arith.muli %convert_element_type3A_13, %mul3A_15 : vector<16xi32>
    %eq3A = arith.cmpi eq, %mul3A_16, %add3A_6 : vector<16xi32>
    %convert_element_type3A_17 = arith.extui %eq3A : vector<16xi1> to vector<16xi32>
    %convert_element_type3A_18 = arith.sitofp %convert_element_type3A_17 : vector<16xi32> to vector<16xf32>
    %sub3A = arith.constant 1.000000e+00 : f32
    %sub3A_19 = vector.broadcast %sub3A : f32 to vector<16xf32>
    %sub3A_20 = arith.subf %sub3A_19, %convert_element_type3A_18 : vector<16xf32>
    %swap3A = arith.constant 0 : i32
    %swap3A_21 = arith.index_cast %swap3A : i32 to index
    %swap3A_22 = arith.constant 0 : index
    %swap3A_23 = tpu.vector_load %arg5[%swap3A_21, %swap3A_22] {strides = array<i32>} : memref<16x128xf32, #tpu.memory_space<vmem>>, vector<16xf32>,
    tpu.vector_store %arg5[%swap3A_21, %swap3A_22], %sub3A_20 {strides = array<i32>} : memref<16x128xf32, #tpu.memory_space<vmem>>, vector<16xf32>,
    %swap3A_24 = arith.constant 1 : i32
    %swap3A_25 = arith.index_cast %swap3A_24 : i32 to index
    %swap3A_26 = arith.constant 0 : index
    %swap3A_27 = tpu.vector_load %arg5[%swap3A_25, %swap3A_26] {strides = array<i32>} : memref<16x128xf32, #tpu.memory_space<vmem>>, vector<16xf32>,
    tpu.vector_store %arg5[%swap3A_25, %swap3A_26], %convert_element_type3A_18 {strides = array<i32>} : memref<16x128xf32, #tpu.memory_space<vmem>>, vector<16xf32>,
    %get3A_28 = arith.constant 16 : index
    %get3A_29 = tpu.vector_load %arg4[%get3A_28] {strides = array<i32>} : memref<1024xi32, #tpu.memory_space<vmem>>, vector<16xi32>,
    %add3A_30 = arith.constant 1 : i32
    %add3A_31 = vector.broadcast %add3A_30 : i32 to vector<16xi32>
    %add3A_32 = arith.addi %get3A_29, %add3A_31 : vector<16xi32>
    %convert_element_type3A_33 = arith.sitofp %add3A_32 : vector<16xi32> to vector<16xf32>
    %mul3A_34 = arith.constant 2.000000e-01 : f32
    %mul3A_35 = vector.broadcast %mul3A_34 : f32 to vector<16xf32>
    %mul3A_36 = arith.mulf %convert_element_type3A_33, %mul3A_35 : vector<16xf32>
    %add3A_37 = arith.constant 5.000000e-01 : f32
    %add3A_38 = vector.broadcast %add3A_37 : f32 to vector<16xf32>
    %add3A_39 = arith.addf %mul3A_36, %add3A_38 : vector<16xf32>
    %convert_element_type3A_40 = arith.fptosi %add3A_39 : vector<16xf32> to vector<16xi32>
    %mul3A_41 = arith.constant 5 : i32
    %mul3A_42 = vector.broadcast %mul3A_41 : i32 to vector<16xi32>
    %mul3A_43 = arith.muli %convert_element_type3A_40, %mul3A_42 : vector<16xi32>
    %eq3A_44 = arith.cmpi eq, %mul3A_43, %add3A_32 : vector<16xi32>
    %convert_element_type3A_45 = arith.extui %eq3A_44 : vector<16xi1> to vector<16xi32>
    %convert_element_type3A_46 = arith.sitofp %convert_element_type3A_45 : vector<16xi32> to vector<16xf32>
    %sub3A_47 = arith.constant 1.000000e+00 : f32
    %sub3A_48 = vector.broadcast %sub3A_47 : f32 to vector<16xf32>
    %sub3A_49 = arith.subf %sub3A_48, %convert_element_type3A_46 : vector<16xf32>
    %swap3A_50 = arith.constant 0 : i32
    %swap3A_51 = arith.index_cast %swap3A_50 : i32 to index
    %swap3A_52 = arith.constant 16 : index
    %swap3A_53 = tpu.vector_load %arg5[%swap3A_51, %swap3A_52] {strides = array<i32>} : memref<16x128xf32, #tpu.memory_space<vmem>>, vector<16xf32>,
    tpu.vector_store %arg5[%swap3A_51, %swap3A_52], %sub3A_49 {strides = array<i32>} : memref<16x128xf32, #tpu.memory_space<vmem>>, vector<16xf32>,
    %swap3A_54 = arith.constant 1 : i32
    %swap3A_55 = arith.index_cast %swap3A_54 : i32 to index
    %swap3A_56 = arith.constant 16 : index
    %swap3A_57 = tpu.vector_load %arg5[%swap3A_55, %swap3A_56] {strides = array<i32>} : memref<16x128xf32, #tpu.memory_space<vmem>>, vector<16xf32>,
    tpu.vector_store %arg5[%swap3A_55, %swap3A_56], %convert_element_type3A_46 {strides = array<i32>} : memref<16x128xf32, #tpu.memory_space<vmem>>, vector<16xf32>,
    %get3A_58 = arith.constant 32 : index
    %get3A_59 = tpu.vector_load %arg4[%get3A_58] {strides = array<i32>} : memref<1024xi32, #tpu.memory_space<vmem>>, vector<16xi32>,
    %add3A_60 = arith.constant 1 : i32
    %add3A_61 = vector.broadcast %add3A_60 : i32 to vector<16xi32>
    %add3A_62 = arith.addi %get3A_59, %add3A_61 : vector<16xi32>
    %convert_element_type3A_63 = arith.sitofp %add3A_62 : vector<16xi32> to vector<16xf32>
    %mul3A_64 = arith.constant 2.000000e-01 : f32
    %mul3A_65 = vector.broadcast %mul3A_64 : f32 to vector<16xf32>
    %mul3A_66 = arith.mulf %convert_element_type3A_63, %mul3A_65 : vector<16xf32>
    %add3A_67 = arith.constant 5.000000e-01 : f32
    %add3A_68 = vector.broadcast %add3A_67 : f32 to vector<16xf32>
    %add3A_69 = arith.addf %mul3A_66, %add3A_68 : vector<16xf32>
    %convert_element_type3A_70 = arith.fptosi %add3A_69 : vector<16xf32> to vector<16xi32>
    %mul3A_71 = arith.constant 5 : i32
    %mul3A_72 = vector.broadcast %mul3A_71 : i32 to vector<16xi32>
    %mul3A_73 = arith.muli %convert_element_type3A_70, %mul3A_72 : vector<16xi32>
    %eq3A_74 = arith.cmpi eq, %mul3A_73, %add3A_62 : vector<16xi32>
    %convert_element_type3A_75 = arith.extui %eq3A_74 : vector<16xi1> to vector<16xi32>
    %convert_element_type3A_76 = arith.sitofp %convert_element_type3A_75 : vector<16xi32> to vector<16xf32>
    %sub3A_77 = arith.constant 1.000000e+00 : f32
    %sub3A_78 = vector.broadcast %sub3A_77 : f32 to vector<16xf32>
    %sub3A_79 = arith.subf %sub3A_78, %convert_element_type3A_76 : vector<16xf32>
    %swap3A_80 = arith.constant 0 : i32
    %swap3A_81 = arith.index_cast %swap3A_80 : i32 to index
    %swap3A_82 = arith.constant 32 : index
    %swap3A_83 = tpu.vector_load %arg5[%swap3A_81, %swap3A_82] {strides = array<i32>} : memref<16x128xf32, #tpu.memory_space<vmem>>, vector<16xf32>,
    tpu.vector_store %arg5[%swap3A_81, %swap3A_82], %sub3A_79 {strides = array<i32>} : memref<16x128xf32, #tpu.memory_space<vmem>>, vector<16xf32>,
    %swap3A_84 = arith.constant 1 : i32
    %swap3A_85 = arith.index_cast %swap3A_84 : i32 to index
    %swap3A_86 = arith.constant 32 : index
    %swap3A_87 = tpu.vector_load %arg5[%swap3A_85, %swap3A_86] {strides = array<i32>} : memref<16x128xf32, #tpu.memory_space<vmem>>, vector<16xf32>,
    tpu.vector_store %arg5[%swap3A_85, %swap3A_86], %convert_element_type3A_76 {strides = array<i32>} : memref<16x128xf32, #tpu.memory_space<vmem>>, vector<16xf32>,
    %get3A_88 = arith.constant 48 : index
    %get3A_89 = tpu.vector_load %arg4[%get3A_88] {strides = array<i32>} : memref<1024xi32, #tpu.memory_space<vmem>>, vector<16xi32>,
    %add3A_90 = arith.constant 1 : i32
    %add3A_91 = vector.broadcast %add3A_90 : i32 to vector<16xi32>
    %add3A_92 = arith.addi %get3A_89, %add3A_91 : vector<16xi32>
    %convert_element_type3A_93 = arith.sitofp %add3A_92 : vector<16xi32> to vector<16xf32>
    %mul3A_94 = arith.constant 2.000000e-01 : f32
    %mul3A_95 = vector.broadcast %mul3A_94 : f32 to vector<16xf32>
    %mul3A_96 = arith.mulf %convert_element_type3A_93, %mul3A_95 : vector<16xf32>
    %add3A_97 = arith.constant 5.000000e-01 : f32
    %add3A_98 = vector.broadcast %add3A_97 : f32 to vector<16xf32>
    %add3A_99 = arith.addf %mul3A_96, %add3A_98 : vector<16xf32>
    %convert_element_type3A_100 = arith.fptosi %add3A_99 : vector<16xf32> to vector<16xi32>
    %mul3A_101 = arith.constant 5 : i32
    %mul3A_102 = vector.broadcast %mul3A_101 : i32 to vector<16xi32>
    %mul3A_103 = arith.muli %convert_element_type3A_100, %mul3A_102 : vector<16xi32>
    %eq3A_104 = arith.cmpi eq, %mul3A_103, %add3A_92 : vector<16xi32>
    %convert_element_type3A_105 = arith.extui %eq3A_104 : vector<16xi1> to vector<16xi32>
    %convert_element_type3A_106 = arith.sitofp %convert_element_type3A_105 : vector<16xi32> to vector<16xf32>
    %sub3A_107 = arith.constant 1.000000e+00 : f32
    %sub3A_108 = vector.broadcast %sub3A_107 : f32 to vector<16xf32>
    %sub3A_109 = arith.subf %sub3A_108, %convert_element_type3A_106 : vector<16xf32>
    %swap3A_110 = arith.constant 0 : i32
    %swap3A_111 = arith.index_cast %swap3A_110 : i32 to index
    %swap3A_112 = arith.constant 48 : index
    %swap3A_113 = tpu.vector_load %arg5[%swap3A_111, %swap3A_112] {strides = array<i32>} : memref<16x128xf32, #tpu.memory_space<vmem>>, vector<16xf32>,
    tpu.vector_store %arg5[%swap3A_111, %swap3A_112], %sub3A_109 {strides = array<i32>} : memref<16x128xf32, #tpu.memory_space<vmem>>, vector<16xf32>,
    %swap3A_114 = arith.constant 1 : i32
    %swap3A_115 = arith.index_cast %swap3A_114 : i32 to index
    %swap3A_116 = arith.constant 48 : index
    %swap3A_117 = tpu.vector_load %arg5[%swap3A_115, %swap3A_116] {strides = array<i32>} : memref<16x128xf32, #tpu.memory_space<vmem>>, vector<16xf32>,
    tpu.vector_store %arg5[%swap3A_115, %swap3A_116], %convert_element_type3A_106 {strides = array<i32>} : memref<16x128xf32, #tpu.memory_space<vmem>>, vector<16xf32>,
    %get3A_118 = arith.constant 64 : index
    %get3A_119 = tpu.vector_load %arg4[%get3A_118] {strides = array<i32>} : memref<1024xi32, #tpu.memory_space<vmem>>, vector<16xi32>,
    %add3A_120 = arith.constant 1 : i32
    %add3A_121 = vector.broadcast %add3A_120 : i32 to vector<16xi32>
    %add3A_122 = arith.addi %get3A_119, %add3A_121 : vector<16xi32>
    %convert_element_type3A_123 = arith.sitofp %add3A_122 : vector<16xi32> to vector<16xf32>
    %mul3A_124 = arith.constant 2.000000e-01 : f32
    %mul3A_125 = vector.broadcast %mul3A_124 : f32 to vector<16xf32>
    %mul3A_126 = arith.mulf %convert_element_type3A_123, %mul3A_125 : vector<16xf32>
    %add3A_127 = arith.constant 5.000000e-01 : f32
    %add3A_128 = vector.broadcast %add3A_127 : f32 to vector<16xf32>
    %add3A_129 = arith.addf %mul3A_126, %add3A_128 : vector<16xf32>
    %convert_element_type3A_130 = arith.fptosi %add3A_129 : vector<16xf32> to vector<16xi32>
    %mul3A_131 = arith.constant 5 : i32
    %mul3A_132 = vector.broadcast %mul3A_131 : i32 to vector<16xi32>
    %mul3A_133 = arith.muli %convert_element_type3A_130, %mul3A_132 : vector<16xi32>
    %eq3A_134 = arith.cmpi eq, %mul3A_133, %add3A_122 : vector<16xi32>
    %convert_element_type3A_135 = arith.extui %eq3A_134 : vector<16xi1> to vector<16xi32>
    %convert_element_type3A_136 = arith.sitofp %convert_element_type3A_135 : vector<16xi32> to vector<16xf32>
    %sub3A_137 = arith.constant 1.000000e+00 : f32
    %sub3A_138 = vector.broadcast %sub3A_137 : f32 to vector<16xf32>
    %sub3A_139 = arith.subf %sub3A_138, %convert_element_type3A_136 : vector<16xf32>
    %swap3A_140 = arith.constant 0 : i32
    %swap3A_141 = arith.index_cast %swap3A_140 : i32 to index
    %swap3A_142 = arith.constant 64 : index
    %swap3A_143 = tpu.vector_load %arg5[%swap3A_141, %swap3A_142] {strides = array<i32>} : memref<16x128xf32, #tpu.memory_space<vmem>>, vector<16xf32>,
    tpu.vector_store %arg5[%swap3A_141, %swap3A_142], %sub3A_139 {strides = array<i32>} : memref<16x128xf32, #tpu.memory_space<vmem>>, vector<16xf32>,
    %swap3A_144 = arith.constant 1 : i32
    %swap3A_145 = arith.index_cast %swap3A_144 : i32 to index
    %swap3A_146 = arith.constant 64 : index
    %swap3A_147 = tpu.vector_load %arg5[%swap3A_145, %swap3A_146] {strides = array<i32>} : memref<16x128xf32, #tpu.memory_space<vmem>>, vector<16xf32>,
    tpu.vector_store %arg5[%swap3A_145, %swap3A_146], %convert_element_type3A_136 {strides = array<i32>} : memref<16x128xf32, #tpu.memory_space<vmem>>, vector<16xf32>,
    %get3A_148 = arith.constant 80 : index
    %get3A_149 = tpu.vector_load %arg4[%get3A_148] {strides = array<i32>} : memref<1024xi32, #tpu.memory_space<vmem>>, vector<16xi32>,
    %add3A_150 = arith.constant 1 : i32
    %add3A_151 = vector.broadcast %add3A_150 : i32 to vector<16xi32>
    %add3A_152 = arith.addi %get3A_149, %add3A_151 : vector<16xi32>
    %convert_element_type3A_153 = arith.sitofp %add3A_152 : vector<16xi32> to vector<16xf32>
    %mul3A_154 = arith.constant 2.000000e-01 : f32
    %mul3A_155 = vector.broadcast %mul3A_154 : f32 to vector<16xf32>
    %mul3A_156 = arith.mulf %convert_element_type3A_153, %mul3A_155 : vector<16xf32>
    %add3A_157 = arith.constant 5.000000e-01 : f32
    %add3A_158 = vector.broadcast %add3A_157 : f32 to vector<16xf32>
    %add3A_159 = arith.addf %mul3A_156, %add3A_158 : vector<16xf32>
    %convert_element_type3A_160 = arith.fptosi %add3A_159 : vector<16xf32> to vector<16xi32>
    %mul3A_161 = arith.constant 5 : i32
    %mul3A_162 = vector.broadcast %mul3A_161 : i32 to vector<16xi32>
    %mul3A_163 = arith.muli %convert_element_type3A_160, %mul3A_162 : vector<16xi32>
    %eq3A_164 = arith.cmpi eq, %mul3A_163, %add3A_152 : vector<16xi32>
    %convert_element_type3A_165 = arith.extui %eq3A_164 : vector<16xi1> to vector<16xi32>
    %convert_element_type3A_166 = arith.sitofp %convert_element_type3A_165 : vector<16xi32> to vector<16xf32>
    %sub3A_167 = arith.constant 1.000000e+00 : f32
    %sub3A_168 = vector.broadcast %sub3A_167 : f32 to vector<16xf32>
    %sub3A_169 = arith.subf %sub3A_168, %convert_element_type3A_166 : vector<16xf32>
    %swap3A_170 = arith.constant 0 : i32
    %swap3A_171 = arith.index_cast %swap3A_170 : i32 to index
    %swap3A_172 = arith.constant 80 : index
    %swap3A_173 = tpu.vector_load %arg5[%swap3A_171, %swap3A_172] {strides = array<i32>} : memref<16x128xf32, #tpu.memory_space<vmem>>, vector<16xf32>,
    tpu.vector_store %arg5[%swap3A_171, %swap3A_172], %sub3A_169 {strides = array<i32>} : memref<16x128xf32, #tpu.memory_space<vmem>>, vector<16xf32>,
    %swap3A_174 = arith.constant 1 : i32
    %swap3A_175 = arith.index_cast %swap3A_174 : i32 to index
    %swap3A_176 = arith.constant 80 : index
    %swap3A_177 = tpu.vector_load %arg5[%swap3A_175, %swap3A_176] {strides = array<i32>} : memref<16x128xf32, #tpu.memory_space<vmem>>, vector<16xf32>,
    tpu.vector_store %arg5[%swap3A_175, %swap3A_176], %convert_element_type3A_166 {strides = array<i32>} : memref<16x128xf32, #tpu.memory_space<vmem>>, vector<16xf32>,
    %get3A_178 = arith.constant 96 : index
    %get3A_179 = tpu.vector_load %arg4[%get3A_178] {strides = array<i32>} : memref<1024xi32, #tpu.memory_space<vmem>>, vector<16xi32>,
    %add3A_180 = arith.constant 1 : i32
    %add3A_181 = vector.broadcast %add3A_180 : i32 to vector<16xi32>
    %add3A_182 = arith.addi %get3A_179, %add3A_181 : vector<16xi32>
    %convert_element_type3A_183 = arith.sitofp %add3A_182 : vector<16xi32> to vector<16xf32>
    %mul3A_184 = arith.constant 2.000000e-01 : f32
    %mul3A_185 = vector.broadcast %mul3A_184 : f32 to vector<16xf32>
    %mul3A_186 = arith.mulf %convert_element_type3A_183, %mul3A_185 : vector<16xf32>
    %add3A_187 = arith.constant 5.000000e-01 : f32
    %add3A_188 = vector.broadcast %add3A_187 : f32 to vector<16xf32>
    %add3A_189 = arith.addf %mul3A_186, %add3A_188 : vector<16xf32>
    %convert_element_type3A_190 = arith.fptosi %add3A_189 : vector<16xf32> to vector<16xi32>
    %mul3A_191 = arith.constant 5 : i32
    %mul3A_192 = vector.broadcast %mul3A_191 : i32 to vector<16xi32>
    %mul3A_193 = arith.muli %convert_element_type3A_190, %mul3A_192 : vector<16xi32>
    %eq3A_194 = arith.cmpi eq, %mul3A_193, %add3A_182 : vector<16xi32>
    %convert_element_type3A_195 = arith.extui %eq3A_194 : vector<16xi1> to vector<16xi32>
    %convert_element_type3A_196 = arith.sitofp %convert_element_type3A_195 : vector<16xi32> to vector<16xf32>
    %sub3A_197 = arith.constant 1.000000e+00 : f32
    %sub3A_198 = vector.broadcast %sub3A_197 : f32 to vector<16xf32>
    %sub3A_199 = arith.subf %sub3A_198, %convert_element_type3A_196 : vector<16xf32>
    %swap3A_200 = arith.constant 0 : i32
    %swap3A_201 = arith.index_cast %swap3A_200 : i32 to index
    %swap3A_202 = arith.constant 96 : index
    %swap3A_203 = tpu.vector_load %arg5[%swap3A_201, %swap3A_202] {strides = array<i32>} : memref<16x128xf32, #tpu.memory_space<vmem>>, vector<16xf32>,
    tpu.vector_store %arg5[%swap3A_201, %swap3A_202], %sub3A_199 {strides = array<i32>} : memref<16x128xf32, #tpu.memory_space<vmem>>, vector<16xf32>,
    %swap3A_204 = arith.constant 1 : i32
    %swap3A_205 = arith.index_cast %swap3A_204 : i32 to index
    %swap3A_206 = arith.constant 96 : index
    %swap3A_207 = tpu.vector_load %arg5[%swap3A_205, %swap3A_206] {strides = array<i32>} : memref<16x128xf32, #tpu.memory_space<vmem>>, vector<16xf32>,
    tpu.vector_store %arg5[%swap3A_205, %swap3A_206], %convert_element_type3A_196 {strides = array<i32>} : memref<16x128xf32, #tpu.memory_space<vmem>>, vector<16xf32>,
    %get3A_208 = arith.constant 112 : index
    %get3A_209 = tpu.vector_load %arg4[%get3A_208] {strides = array<i32>} : memref<1024xi32, #tpu.memory_space<vmem>>, vector<16xi32>,
    %add3A_210 = arith.constant 1 : i32
    %add3A_211 = vector.broadcast %add3A_210 : i32 to vector<16xi32>
    %add3A_212 = arith.addi %get3A_209, %add3A_211 : vector<16xi32>
    %convert_element_type3A_213 = arith.sitofp %add3A_212 : vector<16xi32> to vector<16xf32>
    %mul3A_214 = arith.constant 2.000000e-01 : f32
    %mul3A_215 = vector.broadcast %mul3A_214 : f32 to vector<16xf32>
    %mul3A_216 = arith.mulf %convert_element_type3A_213, %mul3A_215 : vector<16xf32>
    %add3A_217 = arith.constant 5.000000e-01 : f32
    %add3A_218 = vector.broadcast %add3A_217 : f32 to vector<16xf32>
    %add3A_219 = arith.addf %mul3A_216, %add3A_218 : vector<16xf32>
    %convert_element_type3A_220 = arith.fptosi %add3A_219 : vector<16xf32> to vector<16xi32>
    %mul3A_221 = arith.constant 5 : i32
    %mul3A_222 = vector.broadcast %mul3A_221 : i32 to vector<16xi32>
    %mul3A_223 = arith.muli %convert_element_type3A_220, %mul3A_222 : vector<16xi32>
    %eq3A_224 = arith.cmpi eq, %mul3A_223, %add3A_212 : vector<16xi32>
    %convert_element_type3A_225 = arith.extui %eq3A_224 : vector<16xi1> to vector<16xi32>
    %convert_element_type3A_226 = arith.sitofp %convert_element_type3A_225 : vector<16xi32> to vector<16xf32>
    %sub3A_227 = arith.constant 1.000000e+00 : f32
    %sub3A_228 = vector.broadcast %sub3A_227 : f32 to vector<16xf32>
    %sub3A_229 = arith.subf %sub3A_228, %convert_element_type3A_226 : vector<16xf32>
    %swap3A_230 = arith.constant 0 : i32
    %swap3A_231 = arith.index_cast %swap3A_230 : i32 to index
    %swap3A_232 = arith.constant 112 : index
    %swap3A_233 = tpu.vector_load %arg5[%swap3A_231, %swap3A_232] {strides = array<i32>} : memref<16x128xf32, #tpu.memory_space<vmem>>, vector<16xf32>,
    tpu.vector_store %arg5[%swap3A_231, %swap3A_232], %sub3A_229 {strides = array<i32>} : memref<16x128xf32, #tpu.memory_space<vmem>>, vector<16xf32>,
    %swap3A_234 = arith.constant 1 : i32
    %swap3A_235 = arith.index_cast %swap3A_234 : i32 to index
    %swap3A_236 = arith.constant 112 : index
    %swap3A_237 = tpu.vector_load %arg5[%swap3A_235, %swap3A_236] {strides = array<i32>} : memref<16x128xf32, #tpu.memory_space<vmem>>, vector<16xf32>,
    tpu.vector_store %arg5[%swap3A_235, %swap3A_236], %convert_element_type3A_226 {strides = array<i32>} : memref<16x128xf32, #tpu.memory_space<vmem>>, vector<16xf32>,
    %get3A_238 = arith.constant 128 : index
    %get3A_239 = tpu.vector_load %arg4[%get3A_238] {strides = array<i32>} : memref<1024xi32, #tpu.memory_space<vmem>>, vector<16xi32>,
    %add3A_240 = arith.constant 1 : i32
    %add3A_241 = vector.broadcast %add3A_240 : i32 to vector<16xi32>
    %add3A_242 = arith.addi %get3A_239, %add3A_241 : vector<16xi32>
    %convert_element_type3A_243 = arith.sitofp %add3A_242 : vector<16xi32> to vector<16xf32>
    %mul3A_244 = arith.constant 2.000000e-01 : f32
    %mul3A_245 = vector.broadcast %mul3A_244 : f32 to vector<16xf32>
    %mul3A_246 = arith.mulf %convert_element_type3A_243, %mul3A_245 : vector<16xf32>
    %add3A_247 = arith.constant 5.000000e-01 : f32
    %add3A_248 = vector.broadcast %add3A_247 : f32 to vector<16xf32>
    %add3A_249 = arith.addf %mul3A_246, %add3A_248 : vector<16xf32>
    %convert_element_type3A_250 = arith.fptosi %add3A_249 : vector<16xf32> to vector<16xi32>
    %mul3A_251 = arith.constant 5 : i32
    %mul3A_252 = vector.broadcast %mul3A_251 : i32 to vector<16xi32>
    %mul3A_253 = arith.muli %convert_element_type3A_250, %mul3A_252 : vector<16xi32>
    %eq3A_254 = arith.cmpi eq, %mul3A_253, %add3A_242 : vector<16xi32>
    %convert_element_type3A_255 = arith.extui %eq3A_254 : vector<16xi1> to vector<16xi32>
    %convert_element_type3A_256 = arith.sitofp %convert_element_type3A_255 : vector<16xi32> to vector<16xf32>
    %sub3A_257 = arith.constant 1.000000e+00 : f32
    %sub3A_258 = vector.broadcast %sub3A_257 : f32 to vector<16xf32>
    %sub3A_259 = arith.subf %sub3A_258, %convert_element_type3A_256 : vector<16xf32>
    %swap3A_260 = arith.constant 2 : i32
    %swap3A_261 = arith.index_cast %swap3A_260 : i32 to index
    %swap3A_262 = arith.constant 0 : index
    %swap3A_263 = tpu.vector_load %arg5[%swap3A_261, %swap3A_262] {strides = array<i32>} : memref<16x128xf32, #tpu.memory_space<vmem>>, vector<16xf32>,
    tpu.vector_store %arg5[%swap3A_261, %swap3A_262], %sub3A_259 {strides = array<i32>} : memref<16x128xf32, #tpu.memory_space<vmem>>, vector<16xf32>,
    %swap3A_264 = arith.constant 3 : i32
    %swap3A_265 = arith.index_cast %swap3A_264 : i32 to index
    %swap3A_266 = arith.constant 0 : index
    %swap3A_267 = tpu.vector_load %arg5[%swap3A_265, %swap3A_266] {strides = array<i32>} : memref<16x128xf32, #tpu.memory_space<vmem>>, vector<16xf32>,
    tpu.vector_store %arg5[%swap3A_265, %swap3A_266], %convert_element_type3A_256 {strides = array<i32>} : memref<16x128xf32, #tpu.memory_space<vmem>>, vector<16xf32>,
    %get3A_268 = arith.constant 144 : index
    %get3A_269 = tpu.vector_load %arg4[%get3A_268] {strides = array<i32>} : memref<1024xi32, #tpu.memory_space<vmem>>, vector<16xi32>,
    %add3A_270 = arith.constant 1 : i32
    %add3A_271 = vector.broadcast %add3A_270 : i32 to vector<16xi32>
    %add3A_272 = arith.addi %get3A_269, %add3A_271 : vector<16xi32>
    %convert_element_type3A_273 = arith.sitofp %add3A_272 : vector<16xi32> to vector<16xf32>
    %mul3A_274 = arith.constant 2.000000e-01 : f32
    %mul3A_275 = vector.broadcast %mul3A_274 : f32 to vector<16xf32>
    %mul3A_276 = arith.mulf %convert_element_type3A_273, %mul3A_275 : vector<16xf32>
    %add3A_277 = arith.constant 5.000000e-01 : f32
    %add3A_278 = vector.broadcast %add3A_277 : f32 to vector<16xf32>
    %add3A_279 = arith.addf %mul3A_276, %add3A_278 : vector<16xf32>
    %convert_element_type3A_280 = arith.fptosi %add3A_279 : vector<16xf32> to vector<16xi32>
    %mul3A_281 = arith.constant 5 : i32
    %mul3A_282 = vector.broadcast %mul3A_281 : i32 to vector<16xi32>
    %mul3A_283 = arith.muli %convert_element_type3A_280, %mul3A_282 : vector<16xi32>
    %eq3A_284 = arith.cmpi eq, %mul3A_283, %add3A_272 : vector<16xi32>
    %convert_element_type3A_285 = arith.extui %eq3A_284 : vector<16xi1> to vector<16xi32>
    %convert_element_type3A_286 = arith.sitofp %convert_element_type3A_285 : vector<16xi32> to vector<16xf32>
    %sub3A_287 = arith.constant 1.000000e+00 : f32
    %sub3A_288 = vector.broadcast %sub3A_287 : f32 to vector<16xf32>
    %sub3A_289 = arith.subf %sub3A_288, %convert_element_type3A_286 : vector<16xf32>
    %swap3A_290 = arith.constant 2 : i32
    %swap3A_291 = arith.index_cast %swap3A_290 : i32 to index
    %swap3A_292 = arith.constant 16 : index
    %swap3A_293 = tpu.vector_load %arg5[%swap3A_291, %swap3A_292] {strides = array<i32>} : memref<16x128xf32, #tpu.memory_space<vmem>>, vector<16xf32>,
    tpu.vector_store %arg5[%swap3A_291, %swap3A_292], %sub3A_289 {strides = array<i32>} : memref<16x128xf32, #tpu.memory_space<vmem>>, vector<16xf32>,
    %swap3A_294 = arith.constant 3 : i32
    %swap3A_295 = arith.index_cast %swap3A_294 : i32 to index
    %swap3A_296 = arith.constant 16 : index
    %swap3A_297 = tpu.vector_load %arg5[%swap3A_295, %swap3A_296] {strides = array<i32>} : memref<16x128xf32, #tpu.memory_space<vmem>>, vector<16xf32>,
    tpu.vector_store %arg5[%swap3A_295, %swap3A_296], %convert_element_type3A_286 {strides = array<i32>} : memref<16x128xf32, #tpu.memory_space<vmem>>, vector<16xf32>,
    %get3A_298 = arith.constant 160 : index
    %get3A_299 = tpu.vector_load %arg4[%get3A_298] {strides = array<i32>} : memref<1024xi32, #tpu.memory_space<vmem>>, vector<16xi32>,
    %add3A_300 = arith.constant 1 : i32
    %add3A_301 = vector.broadcast %add3A_300 : i32 to vector<16xi32>
    %add3A_302 = arith.addi %get3A_299, %add3A_301 : vector<16xi32>
    %convert_element_type3A_303 = arith.sitofp %add3A_302 : vector<16xi32> to vector<16xf32>
    %mul3A_304 = arith.constant 2.000000e-01 : f32
    %mul3A_305 = vector.broadcast %mul3A_304 : f32 to vector<16xf32>
    %mul3A_306 = arith.mulf %convert_element_type3A_303, %mul3A_305 : vector<16xf32>
    %add3A_307 = arith.constant 5.000000e-01 : f32
    %add3A_308 = vector.broadcast %add3A_307 : f32 to vector<16xf32>
    %add3A_309 = arith.addf %mul3A_306, %add3A_308 : vector<16xf32>
    %convert_element_type3A_310 = arith.fptosi %add3A_309 : vector<16xf32> to vector<16xi32>
    %mul3A_311 = arith.constant 5 : i32
    %mul3A_312 = vector.broadcast %mul3A_311 : i32 to vector<16xi32>
    %mul3A_313 = arith.muli %convert_element_type3A_310, %mul3A_312 : vector<16xi32>
    %eq3A_314 = arith.cmpi eq, %mul3A_313, %add3A_302 : vector<16xi32>
    %convert_element_type3A_315 = arith.extui %eq3A_314 : vector<16xi1> to vector<16xi32>
    %convert_element_type3A_316 = arith.sitofp %convert_element_type3A_315 : vector<16xi32> to vector<16xf32>
    %sub3A_317 = arith.constant 1.000000e+00 : f32
    %sub3A_318 = vector.broadcast %sub3A_317 : f32 to vector<16xf32>
    %sub3A_319 = arith.subf %sub3A_318, %convert_element_type3A_316 : vector<16xf32>
    %swap3A_320 = arith.constant 2 : i32
    %swap3A_321 = arith.index_cast %swap3A_320 : i32 to index
    %swap3A_322 = arith.constant 32 : index
    %swap3A_323 = tpu.vector_load %arg5[%swap3A_321, %swap3A_322] {strides = array<i32>} : memref<16x128xf32, #tpu.memory_space<vmem>>, vector<16xf32>,
    tpu.vector_store %arg5[%swap3A_321, %swap3A_322], %sub3A_319 {strides = array<i32>} : memref<16x128xf32, #tpu.memory_space<vmem>>, vector<16xf32>,
    %swap3A_324 = arith.constant 3 : i32
    %swap3A_325 = arith.index_cast %swap3A_324 : i32 to index
    %swap3A_326 = arith.constant 32 : index
    %swap3A_327 = tpu.vector_load %arg5[%swap3A_325, %swap3A_326] {strides = array<i32>} : memref<16x128xf32, #tpu.memory_space<vmem>>, vector<16xf32>,
    tpu.vector_store %arg5[%swap3A_325, %swap3A_326], %convert_element_type3A_316 {strides = array<i32>} : memref<16x128xf32, #tpu.memory_space<vmem>>, vector<16xf32>,
    %get3A_328 = arith.constant 176 : index
    %get3A_329 = tpu.vector_load %arg4[%get3A_328] {strides = array<i32>} : memref<1024xi32, #tpu.memory_space<vmem>>, vector<16xi32>,
    %add3A_330 = arith.constant 1 : i32
    %add3A_331 = vector.broadcast %add3A_330 : i32 to vector<16xi32>
    %add3A_332 = arith.addi %get3A_329, %add3A_331 : vector<16xi32>
    %convert_element_type3A_333 = arith.sitofp %add3A_332 : vector<16xi32> to vector<16xf32>
    %mul3A_334 = arith.constant 2.000000e-01 : f32
    %mul3A_335 = vector.broadcast %mul3A_334 : f32 to vector<16xf32>
    %mul3A_336 = arith.mulf %convert_element_type3A_333, %mul3A_335 : vector<16xf32>
    %add3A_337 = arith.constant 5.000000e-01 : f32
    %add3A_338 = vector.broadcast %add3A_337 : f32 to vector<16xf32>
    %add3A_339 = arith.addf %mul3A_336, %add3A_338 : vector<16xf32>
    %convert_element_type3A_340 = arith.fptosi %add3A_339 : vector<16xf32> to vector<16xi32>
    %mul3A_341 = arith.constant 5 : i32
    %mul3A_342 = vector.broadcast %mul3A_341 : i32 to vector<16xi32>
    %mul3A_343 = arith.muli %convert_element_type3A_340, %mul3A_342 : vector<16xi32>
    %eq3A_344 = arith.cmpi eq, %mul3A_343, %add3A_332 : vector<16xi32>
    %convert_element_type3A_345 = arith.extui %eq3A_344 : vector<16xi1> to vector<16xi32>
    %convert_element_type3A_346 = arith.sitofp %convert_element_type3A_345 : vector<16xi32> to vector<16xf32>
    %sub3A_347 = arith.constant 1.000000e+00 : f32
    %sub3A_348 = vector.broadcast %sub3A_347 : f32 to vector<16xf32>
    %sub3A_349 = arith.subf %sub3A_348, %convert_element_type3A_346 : vector<16xf32>
    %swap3A_350 = arith.constant 2 : i32
    %swap3A_351 = arith.index_cast %swap3A_350 : i32 to index
    %swap3A_352 = arith.constant 48 : index
    %swap3A_353 = tpu.vector_load %arg5[%swap3A_351, %swap3A_352] {strides = array<i32>} : memref<16x128xf32, #tpu.memory_space<vmem>>, vector<16xf32>,
    tpu.vector_store %arg5[%swap3A_351, %swap3A_352], %sub3A_349 {strides = array<i32>} : memref<16x128xf32, #tpu.memory_space<vmem>>, vector<16xf32>,
    %swap3A_354 = arith.constant 3 : i32
    %swap3A_355 = arith.index_cast %swap3A_354 : i32 to index
    %swap3A_356 = arith.constant 48 : index
    %swap3A_357 = tpu.vector_load %arg5[%swap3A_355, %swap3A_356] {strides = array<i32>} : memref<16x128xf32, #tpu.memory_space<vmem>>, vector<16xf32>,
    tpu.vector_store %arg5[%swap3A_355, %swap3A_356], %convert_element_type3A_346 {strides = array<i32>} : memref<16x128xf32, #tpu.memory_space<vmem>>, vector<16xf32>,
    %get3A_358 = arith.constant 192 : index
    %get3A_359 = tpu.vector_load %arg4[%get3A_358] {strides = array<i32>} : memref<1024xi32, #tpu.memory_space<vmem>>, vector<16xi32>,
    %add3A_360 = arith.constant 1 : i32
    %add3A_361 = vector.broadcast %add3A_360 : i32 to vector<16xi32>
    %add3A_362 = arith.addi %get3A_359, %add3A_361 : vector<16xi32>
    %convert_element_type3A_363 = arith.sitofp %add3A_362 : vector<16xi32> to vector<16xf32>
    %mul3A_364 = arith.constant 2.000000e-01 : f32
    %mul3A_365 = vector.broadcast %mul3A_364 : f32 to vector<16xf32>
    %mul3A_366 = arith.mulf %convert_element_type3A_363, %mul3A_365 : vector<16xf32>
    %add3A_367 = arith.constant 5.000000e-01 : f32
    %add3A_368 = vector.broadcast %add3A_367 : f32 to vector<16xf32>
    %add3A_369 = arith.addf %mul3A_366, %add3A_368 : vector<16xf32>
    %convert_element_type3A_370 = arith.fptosi %add3A_369 : vector<16xf32> to vector<16xi32>
    %mul3A_371 = arith.constant 5 : i32
    %mul3A_372 = vector.broadcast %mul3A_371 : i32 to vector<16xi32>
    %mul3A_373 = arith.muli %convert_element_type3A_370, %mul3A_372 : vector<16xi32>
    %eq3A_374 = arith.cmpi eq, %mul3A_373, %add3A_362 : vector<16xi32>
    %convert_element_type3A_375 = arith.extui %eq3A_374 : vector<16xi1> to vector<16xi32>
    %convert_element_type3A_376 = arith.sitofp %convert_element_type3A_375 : vector<16xi32> to vector<16xf32>
    %sub3A_377 = arith.constant 1.000000e+00 : f32
    %sub3A_378 = vector.broadcast %sub3A_377 : f32 to vector<16xf32>
    %sub3A_379 = arith.subf %sub3A_378, %convert_element_type3A_376 : vector<16xf32>
    %swap3A_380 = arith.constant 2 : i32
    %swap3A_381 = arith.index_cast %swap3A_380 : i32 to index
    %swap3A_382 = arith.constant 64 : index
    %swap3A_383 = tpu.vector_load %arg5[%swap3A_381, %swap3A_382] {strides = array<i32>} : memref<16x128xf32, #tpu.memory_space<vmem>>, vector<16xf32>,
    tpu.vector_store %arg5[%swap3A_381, %swap3A_382], %sub3A_379 {strides = array<i32>} : memref<16x128xf32, #tpu.memory_space<vmem>>, vector<16xf32>,
    %swap3A_384 = arith.constant 3 : i32
    %swap3A_385 = arith.index_cast %swap3A_384 : i32 to index
    %swap3A_386 = arith.constant 64 : index
    %swap3A_387 = tpu.vector_load %arg5[%swap3A_385, %swap3A_386] {strides = array<i32>} : memref<16x128xf32, #tpu.memory_space<vmem>>, vector<16xf32>,
    tpu.vector_store %arg5[%swap3A_385, %swap3A_386], %convert_element_type3A_376 {strides = array<i32>} : memref<16x128xf32, #tpu.memory_space<vmem>>, vector<16xf32>,
    %get3A_388 = arith.constant 208 : index
    %get3A_389 = tpu.vector_load %arg4[%get3A_388] {strides = array<i32>} : memref<1024xi32, #tpu.memory_space<vmem>>, vector<16xi32>,
    %add3A_390 = arith.constant 1 : i32
    %add3A_391 = vector.broadcast %add3A_390 : i32 to vector<16xi32>
    %add3A_392 = arith.addi %get3A_389, %add3A_391 : vector<16xi32>
    %convert_element_type3A_393 = arith.sitofp %add3A_392 : vector<16xi32> to vector<16xf32>
    %mul3A_394 = arith.constant 2.000000e-01 : f32
    %mul3A_395 = vector.broadcast %mul3A_394 : f32 to vector<16xf32>
    %mul3A_396 = arith.mulf %convert_element_type3A_393, %mul3A_395 : vector<16xf32>
    %add3A_397 = arith.constant 5.000000e-01 : f32
    %add3A_398 = vector.broadcast %add3A_397 : f32 to vector<16xf32>
    %add3A_399 = arith.addf %mul3A_396, %add3A_398 : vector<16xf32>
    %convert_element_type3A_400 = arith.fptosi %add3A_399 : vector<16xf32> to vector<16xi32>
    %mul3A_401 = arith.constant 5 : i32
    %mul3A_402 = vector.broadcast %mul3A_401 : i32 to vector<16xi32>
    %mul3A_403 = arith.muli %convert_element_type3A_400, %mul3A_402 : vector<16xi32>
    %eq3A_404 = arith.cmpi eq, %mul3A_403, %add3A_392 : vector<16xi32>
    %convert_element_type3A_405 = arith.extui %eq3A_404 : vector<16xi1> to vector<16xi32>
    %convert_element_type3A_406 = arith.sitofp %convert_element_type3A_405 : vector<16xi32> to vector<16xf32>
    %sub3A_407 = arith.constant 1.000000e+00 : f32
    %sub3A_408 = vector.broadcast %sub3A_407 : f32 to vector<16xf32>
    %sub3A_409 = arith.subf %sub3A_408, %convert_element_type3A_406 : vector<16xf32>
    %swap3A_410 = arith.constant 2 : i32
    %swap3A_411 = arith.index_cast %swap3A_410 : i32 to index
    %swap3A_412 = arith.constant 80 : index
    %swap3A_413 = tpu.vector_load %arg5[%swap3A_411, %swap3A_412] {strides = array<i32>} : memref<16x128xf32, #tpu.memory_space<vmem>>, vector<16xf32>,
    tpu.vector_store %arg5[%swap3A_411, %swap3A_412], %sub3A_409 {strides = array<i32>} : memref<16x128xf32, #tpu.memory_space<vmem>>, vector<16xf32>,
    %swap3A_414 = arith.constant 3 : i32
    %swap3A_415 = arith.index_cast %swap3A_414 : i32 to index
    %swap3A_416 = arith.constant 80 : index
    %swap3A_417 = tpu.vector_load %arg5[%swap3A_415, %swap3A_416] {strides = array<i32>} : memref<16x128xf32, #tpu.memory_space<vmem>>, vector<16xf32>,
    tpu.vector_store %arg5[%swap3A_415, %swap3A_416], %convert_element_type3A_406 {strides = array<i32>} : memref<16x128xf32, #tpu.memory_space<vmem>>, vector<16xf32>,
    %get3A_418 = arith.constant 224 : index
    %get3A_419 = tpu.vector_load %arg4[%get3A_418] {strides = array<i32>} : memref<1024xi32, #tpu.memory_space<vmem>>, vector<16xi32>,
    %add3A_420 = arith.constant 1 : i32
    %add3A_421 = vector.broadcast %add3A_420 : i32 to vector<16xi32>
    %add3A_422 = arith.addi %get3A_419, %add3A_421 : vector<16xi32>
    %convert_element_type3A_423 = arith.sitofp %add3A_422 : vector<16xi32> to vector<16xf32>
    %mul3A_424 = arith.constant 2.000000e-01 : f32
    %mul3A_425 = vector.broadcast %mul3A_424 : f32 to vector<16xf32>
    %mul3A_426 = arith.mulf %convert_element_type3A_423, %mul3A_425 : vector<16xf32>
    %add3A_427 = arith.constant 5.000000e-01 : f32
    %add3A_428 = vector.broadcast %add3A_427 : f32 to vector<16xf32>
    %add3A_429 = arith.addf %mul3A_426, %add3A_428 : vector<16xf32>
    %convert_element_type3A_430 = arith.fptosi %add3A_429 : vector<16xf32> to vector<16xi32>
    %mul3A_431 = arith.constant 5 : i32
    %mul3A_432 = vector.broadcast %mul3A_431 : i32 to vector<16xi32>
    %mul3A_433 = arith.muli %convert_element_type3A_430, %mul3A_432 : vector<16xi32>
    %eq3A_434 = arith.cmpi eq, %mul3A_433, %add3A_422 : vector<16xi32>
    %convert_element_type3A_435 = arith.extui %eq3A_434 : vector<16xi1> to vector<16xi32>
    %convert_element_type3A_436 = arith.sitofp %convert_element_type3A_435 : vector<16xi32> to vector<16xf32>
    %sub3A_437 = arith.constant 1.000000e+00 : f32
    %sub3A_438 = vector.broadcast %sub3A_437 : f32 to vector<16xf32>
    %sub3A_439 = arith.subf %sub3A_438, %convert_element_type3A_436 : vector<16xf32>
    %swap3A_440 = arith.constant 2 : i32
    %swap3A_441 = arith.index_cast %swap3A_440 : i32 to index
    %swap3A_442 = arith.constant 96 : index
    %swap3A_443 = tpu.vector_load %arg5[%swap3A_441, %swap3A_442] {strides = array<i32>} : memref<16x128xf32, #tpu.memory_space<vmem>>, vector<16xf32>,
    tpu.vector_store %arg5[%swap3A_441, %swap3A_442], %sub3A_439 {strides = array<i32>} : memref<16x128xf32, #tpu.memory_space<vmem>>, vector<16xf32>,
    %swap3A_444 = arith.constant 3 : i32
    %swap3A_445 = arith.index_cast %swap3A_444 : i32 to index
    %swap3A_446 = arith.constant 96 : index
    %swap3A_447 = tpu.vector_load %arg5[%swap3A_445, %swap3A_446] {strides = array<i32>} : memref<16x128xf32, #tpu.memory_space<vmem>>, vector<16xf32>,
    tpu.vector_store %arg5[%swap3A_445, %swap3A_446], %convert_element_type3A_436 {strides = array<i32>} : memref<16x128xf32, #tpu.memory_space<vmem>>, vector<16xf32>,
    %get3A_448 = arith.constant 240 : index
    %get3A_449 = tpu.vector_load %arg4[%get3A_448] {strides = array<i32>} : memref<1024xi32, #tpu.memory_space<vmem>>, vector<16xi32>,
    %add3A_450 = arith.constant 1 : i32
    %add3A_451 = vector.broadcast %add3A_450 : i32 to vector<16xi32>
    %add3A_452 = arith.addi %get3A_449, %add3A_451 : vector<16xi32>
    %convert_element_type3A_453 = arith.sitofp %add3A_452 : vector<16xi32> to vector<16xf32>
    %mul3A_454 = arith.constant 2.000000e-01 : f32
    %mul3A_455 = vector.broadcast %mul3A_454 : f32 to vector<16xf32>
    %mul3A_456 = arith.mulf %convert_element_type3A_453, %mul3A_455 : vector<16xf32>
    %add3A_457 = arith.constant 5.000000e-01 : f32
    %add3A_458 = vector.broadcast %add3A_457 : f32 to vector<16xf32>
    %add3A_459 = arith.addf %mul3A_456, %add3A_458 : vector<16xf32>
    %convert_element_type3A_460 = arith.fptosi %add3A_459 : vector<16xf32> to vector<16xi32>
    %mul3A_461 = arith.constant 5 : i32
    %mul3A_462 = vector.broadcast %mul3A_461 : i32 to vector<16xi32>
    %mul3A_463 = arith.muli %convert_element_type3A_460, %mul3A_462 : vector<16xi32>
    %eq3A_464 = arith.cmpi eq, %mul3A_463, %add3A_452 : vector<16xi32>
    %convert_element_type3A_465 = arith.extui %eq3A_464 : vector<16xi1> to vector<16xi32>
    %convert_element_type3A_466 = arith.sitofp %convert_element_type3A_465 : vector<16xi32> to vector<16xf32>
    %sub3A_467 = arith.constant 1.000000e+00 : f32
    %sub3A_468 = vector.broadcast %sub3A_467 : f32 to vector<16xf32>
    %sub3A_469 = arith.subf %sub3A_468, %convert_element_type3A_466 : vector<16xf32>
    %swap3A_470 = arith.constant 2 : i32
    %swap3A_471 = arith.index_cast %swap3A_470 : i32 to index
    %swap3A_472 = arith.constant 112 : index
    %swap3A_473 = tpu.vector_load %arg5[%swap3A_471, %swap3A_472] {strides = array<i32>} : memref<16x128xf32, #tpu.memory_space<vmem>>, vector<16xf32>,
    tpu.vector_store %arg5[%swap3A_471, %swap3A_472], %sub3A_469 {strides = array<i32>} : memref<16x128xf32, #tpu.memory_space<vmem>>, vector<16xf32>,
    %swap3A_474 = arith.constant 3 : i32
    %swap3A_475 = arith.index_cast %swap3A_474 : i32 to index
    %swap3A_476 = arith.constant 112 : index
    %swap3A_477 = tpu.vector_load %arg5[%swap3A_475, %swap3A_476] {strides = array<i32>} : memref<16x128xf32, #tpu.memory_space<vmem>>, vector<16xf32>,
    tpu.vector_store %arg5[%swap3A_475, %swap3A_476], %convert_element_type3A_466 {strides = array<i32>} : memref<16x128xf32, #tpu.memory_space<vmem>>, vector<16xf32>,
    %get3A_478 = arith.constant 256 : index
    %get3A_479 = tpu.vector_load %arg4[%get3A_478] {strides = array<i32>} : memref<1024xi32, #tpu.memory_space<vmem>>, vector<16xi32>,
    %add3A_480 = arith.constant 1 : i32
    %add3A_481 = vector.broadcast %add3A_480 : i32 to vector<16xi32>
    %add3A_482 = arith.addi %get3A_479, %add3A_481 : vector<16xi32>
    %convert_element_type3A_483 = arith.sitofp %add3A_482 : vector<16xi32> to vector<16xf32>
    %mul3A_484 = arith.constant 2.000000e-01 : f32
    %mul3A_485 = vector.broadcast %mul3A_484 : f32 to vector<16xf32>
    %mul3A_486 = arith.mulf %convert_element_type3A_483, %mul3A_485 : vector<16xf32>
    %add3A_487 = arith.constant 5.000000e-01 : f32
    %add3A_488 = vector.broadcast %add3A_487 : f32 to vector<16xf32>
    %add3A_489 = arith.addf %mul3A_486, %add3A_488 : vector<16xf32>
    %convert_element_type3A_490 = arith.fptosi %add3A_489 : vector<16xf32> to vector<16xi32>
    %mul3A_491 = arith.constant 5 : i32
    %mul3A_492 = vector.broadcast %mul3A_491 : i32 to vector<16xi32>
    %mul3A_493 = arith.muli %convert_element_type3A_490, %mul3A_492 : vector<16xi32>
    %eq3A_494 = arith.cmpi eq, %mul3A_493, %add3A_482 : vector<16xi32>
    %convert_element_type3A_495 = arith.extui %eq3A_494 : vector<16xi1> to vector<16xi32>
    %convert_element_type3A_496 = arith.sitofp %convert_element_type3A_495 : vector<16xi32> to vector<16xf32>
    %sub3A_497 = arith.constant 1.000000e+00 : f32
    %sub3A_498 = vector.broadcast %sub3A_497 : f32 to vector<16xf32>
    %sub3A_499 = arith.subf %sub3A_498, %convert_element_type3A_496 : vector<16xf32>
    %swap3A_500 = arith.constant 4 : i32
    %swap3A_501 = arith.index_cast %swap3A_500 : i32 to index
    %swap3A_502 = arith.constant 0 : index
    %swap3A_503 = tpu.vector_load %arg5[%swap3A_501, %swap3A_502] {strides = array<i32>} : memref<16x128xf32, #tpu.memory_space<vmem>>, vector<16xf32>,
    tpu.vector_store %arg5[%swap3A_501, %swap3A_502], %sub3A_499 {strides = array<i32>} : memref<16x128xf32, #tpu.memory_space<vmem>>, vector<16xf32>,
    %swap3A_504 = arith.constant 5 : i32
    %swap3A_505 = arith.index_cast %swap3A_504 : i32 to index
    %swap3A_506 = arith.constant 0 : index
    %swap3A_507 = tpu.vector_load %arg5[%swap3A_505, %swap3A_506] {strides = array<i32>} : memref<16x128xf32, #tpu.memory_space<vmem>>, vector<16xf32>,
    tpu.vector_store %arg5[%swap3A_505, %swap3A_506], %convert_element_type3A_496 {strides = array<i32>} : memref<16x128xf32, #tpu.memory_space<vmem>>, vector<16xf32>,
    %get3A_508 = arith.constant 272 : index
    %get3A_509 = tpu.vector_load %arg4[%get3A_508] {strides = array<i32>} : memref<1024xi32, #tpu.memory_space<vmem>>, vector<16xi32>,
    %add3A_510 = arith.constant 1 : i32
    %add3A_511 = vector.broadcast %add3A_510 : i32 to vector<16xi32>
    %add3A_512 = arith.addi %get3A_509, %add3A_511 : vector<16xi32>
    %convert_element_type3A_513 = arith.sitofp %add3A_512 : vector<16xi32> to vector<16xf32>
    %mul3A_514 = arith.constant 2.000000e-01 : f32
    %mul3A_515 = vector.broadcast %mul3A_514 : f32 to vector<16xf32>
    %mul3A_516 = arith.mulf %convert_element_type3A_513, %mul3A_515 : vector<16xf32>
    %add3A_517 = arith.constant 5.000000e-01 : f32
    %add3A_518 = vector.broadcast %add3A_517 : f32 to vector<16xf32>
    %add3A_519 = arith.addf %mul3A_516, %add3A_518 : vector<16xf32>
    %convert_element_type3A_520 = arith.fptosi %add3A_519 : vector<16xf32> to vector<16xi32>
    %mul3A_521 = arith.constant 5 : i32
    %mul3A_522 = vector.broadcast %mul3A_521 : i32 to vector<16xi32>
    %mul3A_523 = arith.muli %convert_element_type3A_520, %mul3A_522 : vector<16xi32>
    %eq3A_524 = arith.cmpi eq, %mul3A_523, %add3A_512 : vector<16xi32>
    %convert_element_type3A_525 = arith.extui %eq3A_524 : vector<16xi1> to vector<16xi32>
    %convert_element_type3A_526 = arith.sitofp %convert_element_type3A_525 : vector<16xi32> to vector<16xf32>
    %sub3A_527 = arith.constant 1.000000e+00 : f32
    %sub3A_528 = vector.broadcast %sub3A_527 : f32 to vector<16xf32>
    %sub3A_529 = arith.subf %sub3A_528, %convert_element_type3A_526 : vector<16xf32>
    %swap3A_530 = arith.constant 4 : i32
    %swap3A_531 = arith.index_cast %swap3A_530 : i32 to index
    %swap3A_532 = arith.constant 16 : index
    %swap3A_533 = tpu.vector_load %arg5[%swap3A_531, %swap3A_532] {strides = array<i32>} : memref<16x128xf32, #tpu.memory_space<vmem>>, vector<16xf32>,
    tpu.vector_store %arg5[%swap3A_531, %swap3A_532], %sub3A_529 {strides = array<i32>} : memref<16x128xf32, #tpu.memory_space<vmem>>, vector<16xf32>,
    %swap3A_534 = arith.constant 5 : i32
    %swap3A_535 = arith.index_cast %swap3A_534 : i32 to index
    %swap3A_536 = arith.constant 16 : index
    %swap3A_537 = tpu.vector_load %arg5[%swap3A_535, %swap3A_536] {strides = array<i32>} : memref<16x128xf32, #tpu.memory_space<vmem>>, vector<16xf32>,
    tpu.vector_store %arg5[%swap3A_535, %swap3A_536], %convert_element_type3A_526 {strides = array<i32>} : memref<16x128xf32, #tpu.memory_space<vmem>>, vector<16xf32>,
    %get3A_538 = arith.constant 288 : index
    %get3A_539 = tpu.vector_load %arg4[%get3A_538] {strides = array<i32>} : memref<1024xi32, #tpu.memory_space<vmem>>, vector<16xi32>,
    %add3A_540 = arith.constant 1 : i32
    %add3A_541 = vector.broadcast %add3A_540 : i32 to vector<16xi32>
    %add3A_542 = arith.addi %get3A_539, %add3A_541 : vector<16xi32>
    %convert_element_type3A_543 = arith.sitofp %add3A_542 : vector<16xi32> to vector<16xf32>
    %mul3A_544 = arith.constant 2.000000e-01 : f32
    %mul3A_545 = vector.broadcast %mul3A_544 : f32 to vector<16xf32>
    %mul3A_546 = arith.mulf %convert_element_type3A_543, %mul3A_545 : vector<16xf32>
    %add3A_547 = arith.constant 5.000000e-01 : f32
    %add3A_548 = vector.broadcast %add3A_547 : f32 to vector<16xf32>
    %add3A_549 = arith.addf %mul3A_546, %add3A_548 : vector<16xf32>
    %convert_element_type3A_550 = arith.fptosi %add3A_549 : vector<16xf32> to vector<16xi32>
    %mul3A_551 = arith.constant 5 : i32
    %mul3A_552 = vector.broadcast %mul3A_551 : i32 to vector<16xi32>
    %mul3A_553 = arith.muli %convert_element_type3A_550, %mul3A_552 : vector<16xi32>
    %eq3A_554 = arith.cmpi eq, %mul3A_553, %add3A_542 : vector<16xi32>
    %convert_element_type3A_555 = arith.extui %eq3A_554 : vector<16xi1> to vector<16xi32>
    %convert_element_type3A_556 = arith.sitofp %convert_element_type3A_555 : vector<16xi32> to vector<16xf32>
    %sub3A_557 = arith.constant 1.000000e+00 : f32
    %sub3A_558 = vector.broadcast %sub3A_557 : f32 to vector<16xf32>
    %sub3A_559 = arith.subf %sub3A_558, %convert_element_type3A_556 : vector<16xf32>
    %swap3A_560 = arith.constant 4 : i32
    %swap3A_561 = arith.index_cast %swap3A_560 : i32 to index
    %swap3A_562 = arith.constant 32 : index
    %swap3A_563 = tpu.vector_load %arg5[%swap3A_561, %swap3A_562] {strides = array<i32>} : memref<16x128xf32, #tpu.memory_space<vmem>>, vector<16xf32>,
    tpu.vector_store %arg5[%swap3A_561, %swap3A_562], %sub3A_559 {strides = array<i32>} : memref<16x128xf32, #tpu.memory_space<vmem>>, vector<16xf32>,
    %swap3A_564 = arith.constant 5 : i32
    %swap3A_565 = arith.index_cast %swap3A_564 : i32 to index
    %swap3A_566 = arith.constant 32 : index
    %swap3A_567 = tpu.vector_load %arg5[%swap3A_565, %swap3A_566] {strides = array<i32>} : memref<16x128xf32, #tpu.memory_space<vmem>>, vector<16xf32>,
    tpu.vector_store %arg5[%swap3A_565, %swap3A_566], %convert_element_type3A_556 {strides = array<i32>} : memref<16x128xf32, #tpu.memory_space<vmem>>, vector<16xf32>,
    %get3A_568 = arith.constant 304 : index
    %get3A_569 = tpu.vector_load %arg4[%get3A_568] {strides = array<i32>} : memref<1024xi32, #tpu.memory_space<vmem>>, vector<16xi32>,
    %add3A_570 = arith.constant 1 : i32
    %add3A_571 = vector.broadcast %add3A_570 : i32 to vector<16xi32>
    %add3A_572 = arith.addi %get3A_569, %add3A_571 : vector<16xi32>
    %convert_element_type3A_573 = arith.sitofp %add3A_572 : vector<16xi32> to vector<16xf32>
    %mul3A_574 = arith.constant 2.000000e-01 : f32
    %mul3A_575 = vector.broadcast %mul3A_574 : f32 to vector<16xf32>
    %mul3A_576 = arith.mulf %convert_element_type3A_573, %mul3A_575 : vector<16xf32>
    %add3A_577 = arith.constant 5.000000e-01 : f32
    %add3A_578 = vector.broadcast %add3A_577 : f32 to vector<16xf32>
    %add3A_579 = arith.addf %mul3A_576, %add3A_578 : vector<16xf32>
    %convert_element_type3A_580 = arith.fptosi %add3A_579 : vector<16xf32> to vector<16xi32>
    %mul3A_581 = arith.constant 5 : i32
    %mul3A_582 = vector.broadcast %mul3A_581 : i32 to vector<16xi32>
    %mul3A_583 = arith.muli %convert_element_type3A_580, %mul3A_582 : vector<16xi32>
    %eq3A_584 = arith.cmpi eq, %mul3A_583, %add3A_572 : vector<16xi32>
    %convert_element_type3A_585 = arith.extui %eq3A_584 : vector<16xi1> to vector<16xi32>
    %convert_element_type3A_586 = arith.sitofp %convert_element_type3A_585 : vector<16xi32> to vector<16xf32>
    %sub3A_587 = arith.constant 1.000000e+00 : f32
    %sub3A_588 = vector.broadcast %sub3A_587 : f32 to vector<16xf32>
    %sub3A_589 = arith.subf %sub3A_588, %convert_element_type3A_586 : vector<16xf32>
    %swap3A_590 = arith.constant 4 : i32
    %swap3A_591 = arith.index_cast %swap3A_590 : i32 to index
    %swap3A_592 = arith.constant 48 : index
    %swap3A_593 = tpu.vector_load %arg5[%swap3A_591, %swap3A_592] {strides = array<i32>} : memref<16x128xf32, #tpu.memory_space<vmem>>, vector<16xf32>,
    tpu.vector_store %arg5[%swap3A_591, %swap3A_592], %sub3A_589 {strides = array<i32>} : memref<16x128xf32, #tpu.memory_space<vmem>>, vector<16xf32>,
    %swap3A_594 = arith.constant 5 : i32
    %swap3A_595 = arith.index_cast %swap3A_594 : i32 to index
    %swap3A_596 = arith.constant 48 : index
    %swap3A_597 = tpu.vector_load %arg5[%swap3A_595, %swap3A_596] {strides = array<i32>} : memref<16x128xf32, #tpu.memory_space<vmem>>, vector<16xf32>,
    tpu.vector_store %arg5[%swap3A_595, %swap3A_596], %convert_element_type3A_586 {strides = array<i32>} : memref<16x128xf32, #tpu.memory_space<vmem>>, vector<16xf32>,
    %get3A_598 = arith.constant 320 : index
    %get3A_599 = tpu.vector_load %arg4[%get3A_598] {strides = array<i32>} : memref<1024xi32, #tpu.memory_space<vmem>>, vector<16xi32>,
    %add3A_600 = arith.constant 1 : i32
    %add3A_601 = vector.broadcast %add3A_600 : i32 to vector<16xi32>
    %add3A_602 = arith.addi %get3A_599, %add3A_601 : vector<16xi32>
    %convert_element_type3A_603 = arith.sitofp %add3A_602 : vector<16xi32> to vector<16xf32>
    %mul3A_604 = arith.constant 2.000000e-01 : f32
    %mul3A_605 = vector.broadcast %mul3A_604 : f32 to vector<16xf32>
    %mul3A_606 = arith.mulf %convert_element_type3A_603, %mul3A_605 : vector<16xf32>
    %add3A_607 = arith.constant 5.000000e-01 : f32
    %add3A_608 = vector.broadcast %add3A_607 : f32 to vector<16xf32>
    %add3A_609 = arith.addf %mul3A_606, %add3A_608 : vector<16xf32>
    %convert_element_type3A_610 = arith.fptosi %add3A_609 : vector<16xf32> to vector<16xi32>
    %mul3A_611 = arith.constant 5 : i32
    %mul3A_612 = vector.broadcast %mul3A_611 : i32 to vector<16xi32>
    %mul3A_613 = arith.muli %convert_element_type3A_610, %mul3A_612 : vector<16xi32>
    %eq3A_614 = arith.cmpi eq, %mul3A_613, %add3A_602 : vector<16xi32>
    %convert_element_type3A_615 = arith.extui %eq3A_614 : vector<16xi1> to vector<16xi32>
    %convert_element_type3A_616 = arith.sitofp %convert_element_type3A_615 : vector<16xi32> to vector<16xf32>
    %sub3A_617 = arith.constant 1.000000e+00 : f32
    %sub3A_618 = vector.broadcast %sub3A_617 : f32 to vector<16xf32>
    %sub3A_619 = arith.subf %sub3A_618, %convert_element_type3A_616 : vector<16xf32>
    %swap3A_620 = arith.constant 4 : i32
    %swap3A_621 = arith.index_cast %swap3A_620 : i32 to index
    %swap3A_622 = arith.constant 64 : index
    %swap3A_623 = tpu.vector_load %arg5[%swap3A_621, %swap3A_622] {strides = array<i32>} : memref<16x128xf32, #tpu.memory_space<vmem>>, vector<16xf32>,
    tpu.vector_store %arg5[%swap3A_621, %swap3A_622], %sub3A_619 {strides = array<i32>} : memref<16x128xf32, #tpu.memory_space<vmem>>, vector<16xf32>,
    %swap3A_624 = arith.constant 5 : i32
    %swap3A_625 = arith.index_cast %swap3A_624 : i32 to index
    %swap3A_626 = arith.constant 64 : index
    %swap3A_627 = tpu.vector_load %arg5[%swap3A_625, %swap3A_626] {strides = array<i32>} : memref<16x128xf32, #tpu.memory_space<vmem>>, vector<16xf32>,
    tpu.vector_store %arg5[%swap3A_625, %swap3A_626], %convert_element_type3A_616 {strides = array<i32>} : memref<16x128xf32, #tpu.memory_space<vmem>>, vector<16xf32>,
    %get3A_628 = arith.constant 336 : index
    %get3A_629 = tpu.vector_load %arg4[%get3A_628] {strides = array<i32>} : memref<1024xi32, #tpu.memory_space<vmem>>, vector<16xi32>,
    %add3A_630 = arith.constant 1 : i32
    %add3A_631 = vector.broadcast %add3A_630 : i32 to vector<16xi32>
    %add3A_632 = arith.addi %get3A_629, %add3A_631 : vector<16xi32>
    %convert_element_type3A_633 = arith.sitofp %add3A_632 : vector<16xi32> to vector<16xf32>
    %mul3A_634 = arith.constant 2.000000e-01 : f32
    %mul3A_635 = vector.broadcast %mul3A_634 : f32 to vector<16xf32>
    %mul3A_636 = arith.mulf %convert_element_type3A_633, %mul3A_635 : vector<16xf32>
    %add3A_637 = arith.constant 5.000000e-01 : f32
    %add3A_638 = vector.broadcast %add3A_637 : f32 to vector<16xf32>
    %add3A_639 = arith.addf %mul3A_636, %add3A_638 : vector<16xf32>
    %convert_element_type3A_640 = arith.fptosi %add3A_639 : vector<16xf32> to vector<16xi32>
    %mul3A_641 = arith.constant 5 : i32
    %mul3A_642 = vector.broadcast %mul3A_641 : i32 to vector<16xi32>
    %mul3A_643 = arith.muli %convert_element_type3A_640, %mul3A_642 : vector<16xi32>
    %eq3A_644 = arith.cmpi eq, %mul3A_643, %add3A_632 : vector<16xi32>
    %convert_element_type3A_645 = arith.extui %eq3A_644 : vector<16xi1> to vector<16xi32>
    %convert_element_type3A_646 = arith.sitofp %convert_element_type3A_645 : vector<16xi32> to vector<16xf32>
    %sub3A_647 = arith.constant 1.000000e+00 : f32
    %sub3A_648 = vector.broadcast %sub3A_647 : f32 to vector<16xf32>
    %sub3A_649 = arith.subf %sub3A_648, %convert_element_type3A_646 : vector<16xf32>
    %swap3A_650 = arith.constant 4 : i32
    %swap3A_651 = arith.index_cast %swap3A_650 : i32 to index
    %swap3A_652 = arith.constant 80 : index
    %swap3A_653 = tpu.vector_load %arg5[%swap3A_651, %swap3A_652] {strides = array<i32>} : memref<16x128xf32, #tpu.memory_space<vmem>>, vector<16xf32>,
    tpu.vector_store %arg5[%swap3A_651, %swap3A_652], %sub3A_649 {strides = array<i32>} : memref<16x128xf32, #tpu.memory_space<vmem>>, vector<16xf32>,
    %swap3A_654 = arith.constant 5 : i32
    %swap3A_655 = arith.index_cast %swap3A_654 : i32 to index
    %swap3A_656 = arith.constant 80 : index
    %swap3A_657 = tpu.vector_load %arg5[%swap3A_655, %swap3A_656] {strides = array<i32>} : memref<16x128xf32, #tpu.memory_space<vmem>>, vector<16xf32>,
    tpu.vector_store %arg5[%swap3A_655, %swap3A_656], %convert_element_type3A_646 {strides = array<i32>} : memref<16x128xf32, #tpu.memory_space<vmem>>, vector<16xf32>,
    %get3A_658 = arith.constant 352 : index
    %get3A_659 = tpu.vector_load %arg4[%get3A_658] {strides = array<i32>} : memref<1024xi32, #tpu.memory_space<vmem>>, vector<16xi32>,
    %add3A_660 = arith.constant 1 : i32
    %add3A_661 = vector.broadcast %add3A_660 : i32 to vector<16xi32>
    %add3A_662 = arith.addi %get3A_659, %add3A_661 : vector<16xi32>
    %convert_element_type3A_663 = arith.sitofp %add3A_662 : vector<16xi32> to vector<16xf32>
    %mul3A_664 = arith.constant 2.000000e-01 : f32
    %mul3A_665 = vector.broadcast %mul3A_664 : f32 to vector<16xf32>
    %mul3A_666 = arith.mulf %convert_element_type3A_663, %mul3A_665 : vector<16xf32>
    %add3A_667 = arith.constant 5.000000e-01 : f32
    %add3A_668 = vector.broadcast %add3A_667 : f32 to vector<16xf32>
    %add3A_669 = arith.addf %mul3A_666, %add3A_668 : vector<16xf32>
    %convert_element_type3A_670 = arith.fptosi %add3A_669 : vector<16xf32> to vector<16xi32>
    %mul3A_671 = arith.constant 5 : i32
    %mul3A_672 = vector.broadcast %mul3A_671 : i32 to vector<16xi32>
    %mul3A_673 = arith.muli %convert_element_type3A_670, %mul3A_672 : vector<16xi32>
    %eq3A_674 = arith.cmpi eq, %mul3A_673, %add3A_662 : vector<16xi32>
    %convert_element_type3A_675 = arith.extui %eq3A_674 : vector<16xi1> to vector<16xi32>
    %convert_element_type3A_676 = arith.sitofp %convert_element_type3A_675 : vector<16xi32> to vector<16xf32>
    %sub3A_677 = arith.constant 1.000000e+00 : f32
    %sub3A_678 = vector.broadcast %sub3A_677 : f32 to vector<16xf32>
    %sub3A_679 = arith.subf %sub3A_678, %convert_element_type3A_676 : vector<16xf32>
    %swap3A_680 = arith.constant 4 : i32
    %swap3A_681 = arith.index_cast %swap3A_680 : i32 to index
    %swap3A_682 = arith.constant 96 : index
    %swap3A_683 = tpu.vector_load %arg5[%swap3A_681, %swap3A_682] {strides = array<i32>} : memref<16x128xf32, #tpu.memory_space<vmem>>, vector<16xf32>,
    tpu.vector_store %arg5[%swap3A_681, %swap3A_682], %sub3A_679 {strides = array<i32>} : memref<16x128xf32, #tpu.memory_space<vmem>>, vector<16xf32>,
    %swap3A_684 = arith.constant 5 : i32
    %swap3A_685 = arith.index_cast %swap3A_684 : i32 to index
    %swap3A_686 = arith.constant 96 : index
    %swap3A_687 = tpu.vector_load %arg5[%swap3A_685, %swap3A_686] {strides = array<i32>} : memref<16x128xf32, #tpu.memory_space<vmem>>, vector<16xf32>,
    tpu.vector_store %arg5[%swap3A_685, %swap3A_686], %convert_element_type3A_676 {strides = array<i32>} : memref<16x128xf32, #tpu.memory_space<vmem>>, vector<16xf32>,
    %get3A_688 = arith.constant 368 : index
    %get3A_689 = tpu.vector_load %arg4[%get3A_688] {strides = array<i32>} : memref<1024xi32, #tpu.memory_space<vmem>>, vector<16xi32>,
    %add3A_690 = arith.constant 1 : i32
    %add3A_691 = vector.broadcast %add3A_690 : i32 to vector<16xi32>
    %add3A_692 = arith.addi %get3A_689, %add3A_691 : vector<16xi32>
    %convert_element_type3A_693 = arith.sitofp %add3A_692 : vector<16xi32> to vector<16xf32>
    %mul3A_694 = arith.constant 2.000000e-01 : f32
    %mul3A_695 = vector.broadcast %mul3A_694 : f32 to vector<16xf32>
    %mul3A_696 = arith.mulf %convert_element_type3A_693, %mul3A_695 : vector<16xf32>
    %add3A_697 = arith.constant 5.000000e-01 : f32
    %add3A_698 = vector.broadcast %add3A_697 : f32 to vector<16xf32>
    %add3A_699 = arith.addf %mul3A_696, %add3A_698 : vector<16xf32>
    %convert_element_type3A_700 = arith.fptosi %add3A_699 : vector<16xf32> to vector<16xi32>
    %mul3A_701 = arith.constant 5 : i32
    %mul3A_702 = vector.broadcast %mul3A_701 : i32 to vector<16xi32>
    %mul3A_703 = arith.muli %convert_element_type3A_700, %mul3A_702 : vector<16xi32>
    %eq3A_704 = arith.cmpi eq, %mul3A_703, %add3A_692 : vector<16xi32>
    %convert_element_type3A_705 = arith.extui %eq3A_704 : vector<16xi1> to vector<16xi32>
    %convert_element_type3A_706 = arith.sitofp %convert_element_type3A_705 : vector<16xi32> to vector<16xf32>
    %sub3A_707 = arith.constant 1.000000e+00 : f32
    %sub3A_708 = vector.broadcast %sub3A_707 : f32 to vector<16xf32>
    %sub3A_709 = arith.subf %sub3A_708, %convert_element_type3A_706 : vector<16xf32>
    %swap3A_710 = arith.constant 4 : i32
    %swap3A_711 = arith.index_cast %swap3A_710 : i32 to index
    %swap3A_712 = arith.constant 112 : index
    %swap3A_713 = tpu.vector_load %arg5[%swap3A_711, %swap3A_712] {strides = array<i32>} : memref<16x128xf32, #tpu.memory_space<vmem>>, vector<16xf32>,
    tpu.vector_store %arg5[%swap3A_711, %swap3A_712], %sub3A_709 {strides = array<i32>} : memref<16x128xf32, #tpu.memory_space<vmem>>, vector<16xf32>,
    %swap3A_714 = arith.constant 5 : i32
    %swap3A_715 = arith.index_cast %swap3A_714 : i32 to index
    %swap3A_716 = arith.constant 112 : index
    %swap3A_717 = tpu.vector_load %arg5[%swap3A_715, %swap3A_716] {strides = array<i32>} : memref<16x128xf32, #tpu.memory_space<vmem>>, vector<16xf32>,
    tpu.vector_store %arg5[%swap3A_715, %swap3A_716], %convert_element_type3A_706 {strides = array<i32>} : memref<16x128xf32, #tpu.memory_space<vmem>>, vector<16xf32>,
    %get3A_718 = arith.constant 384 : index
    %get3A_719 = tpu.vector_load %arg4[%get3A_718] {strides = array<i32>} : memref<1024xi32, #tpu.memory_space<vmem>>, vector<16xi32>,
    %add3A_720 = arith.constant 1 : i32
    %add3A_721 = vector.broadcast %add3A_720 : i32 to vector<16xi32>
    %add3A_722 = arith.addi %get3A_719, %add3A_721 : vector<16xi32>
    %convert_element_type3A_723 = arith.sitofp %add3A_722 : vector<16xi32> to vector<16xf32>
    %mul3A_724 = arith.constant 2.000000e-01 : f32
    %mul3A_725 = vector.broadcast %mul3A_724 : f32 to vector<16xf32>
    %mul3A_726 = arith.mulf %convert_element_type3A_723, %mul3A_725 : vector<16xf32>
    %add3A_727 = arith.constant 5.000000e-01 : f32
    %add3A_728 = vector.broadcast %add3A_727 : f32 to vector<16xf32>
    %add3A_729 = arith.addf %mul3A_726, %add3A_728 : vector<16xf32>
    %convert_element_type3A_730 = arith.fptosi %add3A_729 : vector<16xf32> to vector<16xi32>
    %mul3A_731 = arith.constant 5 : i32
    %mul3A_732 = vector.broadcast %mul3A_731 : i32 to vector<16xi32>
    %mul3A_733 = arith.muli %convert_element_type3A_730, %mul3A_732 : vector<16xi32>
    %eq3A_734 = arith.cmpi eq, %mul3A_733, %add3A_722 : vector<16xi32>
    %convert_element_type3A_735 = arith.extui %eq3A_734 : vector<16xi1> to vector<16xi32>
    %convert_element_type3A_736 = arith.sitofp %convert_element_type3A_735 : vector<16xi32> to vector<16xf32>
    %sub3A_737 = arith.constant 1.000000e+00 : f32
    %sub3A_738 = vector.broadcast %sub3A_737 : f32 to vector<16xf32>
    %sub3A_739 = arith.subf %sub3A_738, %convert_element_type3A_736 : vector<16xf32>
    %swap3A_740 = arith.constant 6 : i32
    %swap3A_741 = arith.index_cast %swap3A_740 : i32 to index
    %swap3A_742 = arith.constant 0 : index
    %swap3A_743 = tpu.vector_load %arg5[%swap3A_741, %swap3A_742] {strides = array<i32>} : memref<16x128xf32, #tpu.memory_space<vmem>>, vector<16xf32>,
    tpu.vector_store %arg5[%swap3A_741, %swap3A_742], %sub3A_739 {strides = array<i32>} : memref<16x128xf32, #tpu.memory_space<vmem>>, vector<16xf32>,
    %swap3A_744 = arith.constant 7 : i32
    %swap3A_745 = arith.index_cast %swap3A_744 : i32 to index
    %swap3A_746 = arith.constant 0 : index
    %swap3A_747 = tpu.vector_load %arg5[%swap3A_745, %swap3A_746] {strides = array<i32>} : memref<16x128xf32, #tpu.memory_space<vmem>>, vector<16xf32>,
    tpu.vector_store %arg5[%swap3A_745, %swap3A_746], %convert_element_type3A_736 {strides = array<i32>} : memref<16x128xf32, #tpu.memory_space<vmem>>, vector<16xf32>,
    %get3A_748 = arith.constant 400 : index
    %get3A_749 = tpu.vector_load %arg4[%get3A_748] {strides = array<i32>} : memref<1024xi32, #tpu.memory_space<vmem>>, vector<16xi32>,
    %add3A_750 = arith.constant 1 : i32
    %add3A_751 = vector.broadcast %add3A_750 : i32 to vector<16xi32>
    %add3A_752 = arith.addi %get3A_749, %add3A_751 : vector<16xi32>
    %convert_element_type3A_753 = arith.sitofp %add3A_752 : vector<16xi32> to vector<16xf32>
    %mul3A_754 = arith.constant 2.000000e-01 : f32
    %mul3A_755 = vector.broadcast %mul3A_754 : f32 to vector<16xf32>
    %mul3A_756 = arith.mulf %convert_element_type3A_753, %mul3A_755 : vector<16xf32>
    %add3A_757 = arith.constant 5.000000e-01 : f32
    %add3A_758 = vector.broadcast %add3A_757 : f32 to vector<16xf32>
    %add3A_759 = arith.addf %mul3A_756, %add3A_758 : vector<16xf32>
    %convert_element_type3A_760 = arith.fptosi %add3A_759 : vector<16xf32> to vector<16xi32>
    %mul3A_761 = arith.constant 5 : i32
    %mul3A_762 = vector.broadcast %mul3A_761 : i32 to vector<16xi32>
    %mul3A_763 = arith.muli %convert_element_type3A_760, %mul3A_762 : vector<16xi32>
    %eq3A_764 = arith.cmpi eq, %mul3A_763, %add3A_752 : vector<16xi32>
    %convert_element_type3A_765 = arith.extui %eq3A_764 : vector<16xi1> to vector<16xi32>
    %convert_element_type3A_766 = arith.sitofp %convert_element_type3A_765 : vector<16xi32> to vector<16xf32>
    %sub3A_767 = arith.constant 1.000000e+00 : f32
    %sub3A_768 = vector.broadcast %sub3A_767 : f32 to vector<16xf32>
    %sub3A_769 = arith.subf %sub3A_768, %convert_element_type3A_766 : vector<16xf32>
    %swap3A_770 = arith.constant 6 : i32
    %swap3A_771 = arith.index_cast %swap3A_770 : i32 to index
    %swap3A_772 = arith.constant 16 : index
    %swap3A_773 = tpu.vector_load %arg5[%swap3A_771, %swap3A_772] {strides = array<i32>} : memref<16x128xf32, #tpu.memory_space<vmem>>, vector<16xf32>,
    tpu.vector_store %arg5[%swap3A_771, %swap3A_772], %sub3A_769 {strides = array<i32>} : memref<16x128xf32, #tpu.memory_space<vmem>>, vector<16xf32>,
    %swap3A_774 = arith.constant 7 : i32
    %swap3A_775 = arith.index_cast %swap3A_774 : i32 to index
    %swap3A_776 = arith.constant 16 : index
    %swap3A_777 = tpu.vector_load %arg5[%swap3A_775, %swap3A_776] {strides = array<i32>} : memref<16x128xf32, #tpu.memory_space<vmem>>, vector<16xf32>,
    tpu.vector_store %arg5[%swap3A_775, %swap3A_776], %convert_element_type3A_766 {strides = array<i32>} : memref<16x128xf32, #tpu.memory_space<vmem>>, vector<16xf32>,
    %get3A_778 = arith.constant 416 : index
    %get3A_779 = tpu.vector_load %arg4[%get3A_778] {strides = array<i32>} : memref<1024xi32, #tpu.memory_space<vmem>>, vector<16xi32>,
    %add3A_780 = arith.constant 1 : i32
    %add3A_781 = vector.broadcast %add3A_780 : i32 to vector<16xi32>
    %add3A_782 = arith.addi %get3A_779, %add3A_781 : vector<16xi32>
    %convert_element_type3A_783 = arith.sitofp %add3A_782 : vector<16xi32> to vector<16xf32>
    %mul3A_784 = arith.constant 2.000000e-01 : f32
    %mul3A_785 = vector.broadcast %mul3A_784 : f32 to vector<16xf32>
    %mul3A_786 = arith.mulf %convert_element_type3A_783, %mul3A_785 : vector<16xf32>
    %add3A_787 = arith.constant 5.000000e-01 : f32
    %add3A_788 = vector.broadcast %add3A_787 : f32 to vector<16xf32>
    %add3A_789 = arith.addf %mul3A_786, %add3A_788 : vector<16xf32>
    %convert_element_type3A_790 = arith.fptosi %add3A_789 : vector<16xf32> to vector<16xi32>
    %mul3A_791 = arith.constant 5 : i32
    %mul3A_792 = vector.broadcast %mul3A_791 : i32 to vector<16xi32>
    %mul3A_793 = arith.muli %convert_element_type3A_790, %mul3A_792 : vector<16xi32>
    %eq3A_794 = arith.cmpi eq, %mul3A_793, %add3A_782 : vector<16xi32>
    %convert_element_type3A_795 = arith.extui %eq3A_794 : vector<16xi1> to vector<16xi32>
    %convert_element_type3A_796 = arith.sitofp %convert_element_type3A_795 : vector<16xi32> to vector<16xf32>
    %sub3A_797 = arith.constant 1.000000e+00 : f32
    %sub3A_798 = vector.broadcast %sub3A_797 : f32 to vector<16xf32>
    %sub3A_799 = arith.subf %sub3A_798, %convert_element_type3A_796 : vector<16xf32>
    %swap3A_800 = arith.constant 6 : i32
    %swap3A_801 = arith.index_cast %swap3A_800 : i32 to index
    %swap3A_802 = arith.constant 32 : index
    %swap3A_803 = tpu.vector_load %arg5[%swap3A_801, %swap3A_802] {strides = array<i32>} : memref<16x128xf32, #tpu.memory_space<vmem>>, vector<16xf32>,
    tpu.vector_store %arg5[%swap3A_801, %swap3A_802], %sub3A_799 {strides = array<i32>} : memref<16x128xf32, #tpu.memory_space<vmem>>, vector<16xf32>,
    %swap3A_804 = arith.constant 7 : i32
    %swap3A_805 = arith.index_cast %swap3A_804 : i32 to index
    %swap3A_806 = arith.constant 32 : index
    %swap3A_807 = tpu.vector_load %arg5[%swap3A_805, %swap3A_806] {strides = array<i32>} : memref<16x128xf32, #tpu.memory_space<vmem>>, vector<16xf32>,
    tpu.vector_store %arg5[%swap3A_805, %swap3A_806], %convert_element_type3A_796 {strides = array<i32>} : memref<16x128xf32, #tpu.memory_space<vmem>>, vector<16xf32>,
    %get3A_808 = arith.constant 432 : index
    %get3A_809 = tpu.vector_load %arg4[%get3A_808] {strides = array<i32>} : memref<1024xi32, #tpu.memory_space<vmem>>, vector<16xi32>,
    %add3A_810 = arith.constant 1 : i32
    %add3A_811 = vector.broadcast %add3A_810 : i32 to vector<16xi32>
    %add3A_812 = arith.addi %get3A_809, %add3A_811 : vector<16xi32>
    %convert_element_type3A_813 = arith.sitofp %add3A_812 : vector<16xi32> to vector<16xf32>
    %mul3A_814 = arith.constant 2.000000e-01 : f32
    %mul3A_815 = vector.broadcast %mul3A_814 : f32 to vector<16xf32>
    %mul3A_816 = arith.mulf %convert_element_type3A_813, %mul3A_815 : vector<16xf32>
    %add3A_817 = arith.constant 5.000000e-01 : f32
    %add3A_818 = vector.broadcast %add3A_817 : f32 to vector<16xf32>
    %add3A_819 = arith.addf %mul3A_816, %add3A_818 : vector<16xf32>
    %convert_element_type3A_820 = arith.fptosi %add3A_819 : vector<16xf32> to vector<16xi32>
    %mul3A_821 = arith.constant 5 : i32
    %mul3A_822 = vector.broadcast %mul3A_821 : i32 to vector<16xi32>
    %mul3A_823 = arith.muli %convert_element_type3A_820, %mul3A_822 : vector<16xi32>
    %eq3A_824 = arith.cmpi eq, %mul3A_823, %add3A_812 : vector<16xi32>
    %convert_element_type3A_825 = arith.extui %eq3A_824 : vector<16xi1> to vector<16xi32>
    %convert_element_type3A_826 = arith.sitofp %convert_element_type3A_825 : vector<16xi32> to vector<16xf32>
    %sub3A_827 = arith.constant 1.000000e+00 : f32
    %sub3A_828 = vector.broadcast %sub3A_827 : f32 to vector<16xf32>
    %sub3A_829 = arith.subf %sub3A_828, %convert_element_type3A_826 : vector<16xf32>
    %swap3A_830 = arith.constant 6 : i32
    %swap3A_831 = arith.index_cast %swap3A_830 : i32 to index
    %swap3A_832 = arith.constant 48 : index
    %swap3A_833 = tpu.vector_load %arg5[%swap3A_831, %swap3A_832] {strides = array<i32>} : memref<16x128xf32, #tpu.memory_space<vmem>>, vector<16xf32>,
    tpu.vector_store %arg5[%swap3A_831, %swap3A_832], %sub3A_829 {strides = array<i32>} : memref<16x128xf32, #tpu.memory_space<vmem>>, vector<16xf32>,
    %swap3A_834 = arith.constant 7 : i32
    %swap3A_835 = arith.index_cast %swap3A_834 : i32 to index
    %swap3A_836 = arith.constant 48 : index
    %swap3A_837 = tpu.vector_load %arg5[%swap3A_835, %swap3A_836] {strides = array<i32>} : memref<16x128xf32, #tpu.memory_space<vmem>>, vector<16xf32>,
    tpu.vector_store %arg5[%swap3A_835, %swap3A_836], %convert_element_type3A_826 {strides = array<i32>} : memref<16x128xf32, #tpu.memory_space<vmem>>, vector<16xf32>,
    %get3A_838 = arith.constant 448 : index
    %get3A_839 = tpu.vector_load %arg4[%get3A_838] {strides = array<i32>} : memref<1024xi32, #tpu.memory_space<vmem>>, vector<16xi32>,
    %add3A_840 = arith.constant 1 : i32
    %add3A_841 = vector.broadcast %add3A_840 : i32 to vector<16xi32>
    %add3A_842 = arith.addi %get3A_839, %add3A_841 : vector<16xi32>
    %convert_element_type3A_843 = arith.sitofp %add3A_842 : vector<16xi32> to vector<16xf32>
    %mul3A_844 = arith.constant 2.000000e-01 : f32
    %mul3A_845 = vector.broadcast %mul3A_844 : f32 to vector<16xf32>
    %mul3A_846 = arith.mulf %convert_element_type3A_843, %mul3A_845 : vector<16xf32>
    %add3A_847 = arith.constant 5.000000e-01 : f32
    %add3A_848 = vector.broadcast %add3A_847 : f32 to vector<16xf32>
    %add3A_849 = arith.addf %mul3A_846, %add3A_848 : vector<16xf32>
    %convert_element_type3A_850 = arith.fptosi %add3A_849 : vector<16xf32> to vector<16xi32>
    %mul3A_851 = arith.constant 5 : i32
    %mul3A_852 = vector.broadcast %mul3A_851 : i32 to vector<16xi32>
    %mul3A_853 = arith.muli %convert_element_type3A_850, %mul3A_852 : vector<16xi32>
    %eq3A_854 = arith.cmpi eq, %mul3A_853, %add3A_842 : vector<16xi32>
    %convert_element_type3A_855 = arith.extui %eq3A_854 : vector<16xi1> to vector<16xi32>
    %convert_element_type3A_856 = arith.sitofp %convert_element_type3A_855 : vector<16xi32> to vector<16xf32>
    %sub3A_857 = arith.constant 1.000000e+00 : f32
    %sub3A_858 = vector.broadcast %sub3A_857 : f32 to vector<16xf32>
    %sub3A_859 = arith.subf %sub3A_858, %convert_element_type3A_856 : vector<16xf32>
    %swap3A_860 = arith.constant 6 : i32
    %swap3A_861 = arith.index_cast %swap3A_860 : i32 to index
    %swap3A_862 = arith.constant 64 : index
    %swap3A_863 = tpu.vector_load %arg5[%swap3A_861, %swap3A_862] {strides = array<i32>} : memref<16x128xf32, #tpu.memory_space<vmem>>, vector<16xf32>,
    tpu.vector_store %arg5[%swap3A_861, %swap3A_862], %sub3A_859 {strides = array<i32>} : memref<16x128xf32, #tpu.memory_space<vmem>>, vector<16xf32>,
    %swap3A_864 = arith.constant 7 : i32
    %swap3A_865 = arith.index_cast %swap3A_864 : i32 to index
    %swap3A_866 = arith.constant 64 : index
    %swap3A_867 = tpu.vector_load %arg5[%swap3A_865, %swap3A_866] {strides = array<i32>} : memref<16x128xf32, #tpu.memory_space<vmem>>, vector<16xf32>,
    tpu.vector_store %arg5[%swap3A_865, %swap3A_866], %convert_element_type3A_856 {strides = array<i32>} : memref<16x128xf32, #tpu.memory_space<vmem>>, vector<16xf32>,
    %get3A_868 = arith.constant 464 : index
    %get3A_869 = tpu.vector_load %arg4[%get3A_868] {strides = array<i32>} : memref<1024xi32, #tpu.memory_space<vmem>>, vector<16xi32>,
    %add3A_870 = arith.constant 1 : i32
    %add3A_871 = vector.broadcast %add3A_870 : i32 to vector<16xi32>
    %add3A_872 = arith.addi %get3A_869, %add3A_871 : vector<16xi32>
    %convert_element_type3A_873 = arith.sitofp %add3A_872 : vector<16xi32> to vector<16xf32>
    %mul3A_874 = arith.constant 2.000000e-01 : f32
    %mul3A_875 = vector.broadcast %mul3A_874 : f32 to vector<16xf32>
    %mul3A_876 = arith.mulf %convert_element_type3A_873, %mul3A_875 : vector<16xf32>
    %add3A_877 = arith.constant 5.000000e-01 : f32
    %add3A_878 = vector.broadcast %add3A_877 : f32 to vector<16xf32>
    %add3A_879 = arith.addf %mul3A_876, %add3A_878 : vector<16xf32>
    %convert_element_type3A_880 = arith.fptosi %add3A_879 : vector<16xf32> to vector<16xi32>
    %mul3A_881 = arith.constant 5 : i32
    %mul3A_882 = vector.broadcast %mul3A_881 : i32 to vector<16xi32>
    %mul3A_883 = arith.muli %convert_element_type3A_880, %mul3A_882 : vector<16xi32>
    %eq3A_884 = arith.cmpi eq, %mul3A_883, %add3A_872 : vector<16xi32>
    %convert_element_type3A_885 = arith.extui %eq3A_884 : vector<16xi1> to vector<16xi32>
    %convert_element_type3A_886 = arith.sitofp %convert_element_type3A_885 : vector<16xi32> to vector<16xf32>
    %sub3A_887 = arith.constant 1.000000e+00 : f32
    %sub3A_888 = vector.broadcast %sub3A_887 : f32 to vector<16xf32>
    %sub3A_889 = arith.subf %sub3A_888, %convert_element_type3A_886 : vector<16xf32>
    %swap3A_890 = arith.constant 6 : i32
    %swap3A_891 = arith.index_cast %swap3A_890 : i32 to index
    %swap3A_892 = arith.constant 80 : index
    %swap3A_893 = tpu.vector_load %arg5[%swap3A_891, %swap3A_892] {strides = array<i32>} : memref<16x128xf32, #tpu.memory_space<vmem>>, vector<16xf32>,
    tpu.vector_store %arg5[%swap3A_891, %swap3A_892], %sub3A_889 {strides = array<i32>} : memref<16x128xf32, #tpu.memory_space<vmem>>, vector<16xf32>,
    %swap3A_894 = arith.constant 7 : i32
    %swap3A_895 = arith.index_cast %swap3A_894 : i32 to index
    %swap3A_896 = arith.constant 80 : index
    %swap3A_897 = tpu.vector_load %arg5[%swap3A_895, %swap3A_896] {strides = array<i32>} : memref<16x128xf32, #tpu.memory_space<vmem>>, vector<16xf32>,
    tpu.vector_store %arg5[%swap3A_895, %swap3A_896], %convert_element_type3A_886 {strides = array<i32>} : memref<16x128xf32, #tpu.memory_space<vmem>>, vector<16xf32>,
    %get3A_898 = arith.constant 480 : index
    %get3A_899 = tpu.vector_load %arg4[%get3A_898] {strides = array<i32>} : memref<1024xi32, #tpu.memory_space<vmem>>, vector<16xi32>,
    %add3A_900 = arith.constant 1 : i32
    %add3A_901 = vector.broadcast %add3A_900 : i32 to vector<16xi32>
    %add3A_902 = arith.addi %get3A_899, %add3A_901 : vector<16xi32>
    %convert_element_type3A_903 = arith.sitofp %add3A_902 : vector<16xi32> to vector<16xf32>
    %mul3A_904 = arith.constant 2.000000e-01 : f32
    %mul3A_905 = vector.broadcast %mul3A_904 : f32 to vector<16xf32>
    %mul3A_906 = arith.mulf %convert_element_type3A_903, %mul3A_905 : vector<16xf32>
    %add3A_907 = arith.constant 5.000000e-01 : f32
    %add3A_908 = vector.broadcast %add3A_907 : f32 to vector<16xf32>
    %add3A_909 = arith.addf %mul3A_906, %add3A_908 : vector<16xf32>
    %convert_element_type3A_910 = arith.fptosi %add3A_909 : vector<16xf32> to vector<16xi32>
    %mul3A_911 = arith.constant 5 : i32
    %mul3A_912 = vector.broadcast %mul3A_911 : i32 to vector<16xi32>
    %mul3A_913 = arith.muli %convert_element_type3A_910, %mul3A_912 : vector<16xi32>
    %eq3A_914 = arith.cmpi eq, %mul3A_913, %add3A_902 : vector<16xi32>
    %convert_element_type3A_915 = arith.extui %eq3A_914 : vector<16xi1> to vector<16xi32>
    %convert_element_type3A_916 = arith.sitofp %convert_element_type3A_915 : vector<16xi32> to vector<16xf32>
    %sub3A_917 = arith.constant 1.000000e+00 : f32
    %sub3A_918 = vector.broadcast %sub3A_917 : f32 to vector<16xf32>
    %sub3A_919 = arith.subf %sub3A_918, %convert_element_type3A_916 : vector<16xf32>
    %swap3A_920 = arith.constant 6 : i32
    %swap3A_921 = arith.index_cast %swap3A_920 : i32 to index
    %swap3A_922 = arith.constant 96 : index
    %swap3A_923 = tpu.vector_load %arg5[%swap3A_921, %swap3A_922] {strides = array<i32>} : memref<16x128xf32, #tpu.memory_space<vmem>>, vector<16xf32>,
    tpu.vector_store %arg5[%swap3A_921, %swap3A_922], %sub3A_919 {strides = array<i32>} : memref<16x128xf32, #tpu.memory_space<vmem>>, vector<16xf32>,
    %swap3A_924 = arith.constant 7 : i32
    %swap3A_925 = arith.index_cast %swap3A_924 : i32 to index
    %swap3A_926 = arith.constant 96 : index
    %swap3A_927 = tpu.vector_load %arg5[%swap3A_925, %swap3A_926] {strides = array<i32>} : memref<16x128xf32, #tpu.memory_space<vmem>>, vector<16xf32>,
    tpu.vector_store %arg5[%swap3A_925, %swap3A_926], %convert_element_type3A_916 {strides = array<i32>} : memref<16x128xf32, #tpu.memory_space<vmem>>, vector<16xf32>,
    %get3A_928 = arith.constant 496 : index
    %get3A_929 = tpu.vector_load %arg4[%get3A_928] {strides = array<i32>} : memref<1024xi32, #tpu.memory_space<vmem>>, vector<16xi32>,
    %add3A_930 = arith.constant 1 : i32
    %add3A_931 = vector.broadcast %add3A_930 : i32 to vector<16xi32>
    %add3A_932 = arith.addi %get3A_929, %add3A_931 : vector<16xi32>
    %convert_element_type3A_933 = arith.sitofp %add3A_932 : vector<16xi32> to vector<16xf32>
    %mul3A_934 = arith.constant 2.000000e-01 : f32
    %mul3A_935 = vector.broadcast %mul3A_934 : f32 to vector<16xf32>
    %mul3A_936 = arith.mulf %convert_element_type3A_933, %mul3A_935 : vector<16xf32>
    %add3A_937 = arith.constant 5.000000e-01 : f32
    %add3A_938 = vector.broadcast %add3A_937 : f32 to vector<16xf32>
    %add3A_939 = arith.addf %mul3A_936, %add3A_938 : vector<16xf32>
    %convert_element_type3A_940 = arith.fptosi %add3A_939 : vector<16xf32> to vector<16xi32>
    %mul3A_941 = arith.constant 5 : i32
    %mul3A_942 = vector.broadcast %mul3A_941 : i32 to vector<16xi32>
    %mul3A_943 = arith.muli %convert_element_type3A_940, %mul3A_942 : vector<16xi32>
    %eq3A_944 = arith.cmpi eq, %mul3A_943, %add3A_932 : vector<16xi32>
    %convert_element_type3A_945 = arith.extui %eq3A_944 : vector<16xi1> to vector<16xi32>
    %convert_element_type3A_946 = arith.sitofp %convert_element_type3A_945 : vector<16xi32> to vector<16xf32>
    %sub3A_947 = arith.constant 1.000000e+00 : f32
    %sub3A_948 = vector.broadcast %sub3A_947 : f32 to vector<16xf32>
    %sub3A_949 = arith.subf %sub3A_948, %convert_element_type3A_946 : vector<16xf32>
    %swap3A_950 = arith.constant 6 : i32
    %swap3A_951 = arith.index_cast %swap3A_950 : i32 to index
    %swap3A_952 = arith.constant 112 : index
    %swap3A_953 = tpu.vector_load %arg5[%swap3A_951, %swap3A_952] {strides = array<i32>} : memref<16x128xf32, #tpu.memory_space<vmem>>, vector<16xf32>,
    tpu.vector_store %arg5[%swap3A_951, %swap3A_952], %sub3A_949 {strides = array<i32>} : memref<16x128xf32, #tpu.memory_space<vmem>>, vector<16xf32>,
    %swap3A_954 = arith.constant 7 : i32
    %swap3A_955 = arith.index_cast %swap3A_954 : i32 to index
    %swap3A_956 = arith.constant 112 : index
    %swap3A_957 = tpu.vector_load %arg5[%swap3A_955, %swap3A_956] {strides = array<i32>} : memref<16x128xf32, #tpu.memory_space<vmem>>, vector<16xf32>,
    tpu.vector_store %arg5[%swap3A_955, %swap3A_956], %convert_element_type3A_946 {strides = array<i32>} : memref<16x128xf32, #tpu.memory_space<vmem>>, vector<16xf32>,
    %get3A_958 = arith.constant 512 : index
    %get3A_959 = tpu.vector_load %arg4[%get3A_958] {strides = array<i32>} : memref<1024xi32, #tpu.memory_space<vmem>>, vector<16xi32>,
    %add3A_960 = arith.constant 1 : i32
    %add3A_961 = vector.broadcast %add3A_960 : i32 to vector<16xi32>
    %add3A_962 = arith.addi %get3A_959, %add3A_961 : vector<16xi32>
    %convert_element_type3A_963 = arith.sitofp %add3A_962 : vector<16xi32> to vector<16xf32>
    %mul3A_964 = arith.constant 2.000000e-01 : f32
    %mul3A_965 = vector.broadcast %mul3A_964 : f32 to vector<16xf32>
    %mul3A_966 = arith.mulf %convert_element_type3A_963, %mul3A_965 : vector<16xf32>
    %add3A_967 = arith.constant 5.000000e-01 : f32
    %add3A_968 = vector.broadcast %add3A_967 : f32 to vector<16xf32>
    %add3A_969 = arith.addf %mul3A_966, %add3A_968 : vector<16xf32>
    %convert_element_type3A_970 = arith.fptosi %add3A_969 : vector<16xf32> to vector<16xi32>
    %mul3A_971 = arith.constant 5 : i32
    %mul3A_972 = vector.broadcast %mul3A_971 : i32 to vector<16xi32>
    %mul3A_973 = arith.muli %convert_element_type3A_970, %mul3A_972 : vector<16xi32>
    %eq3A_974 = arith.cmpi eq, %mul3A_973, %add3A_962 : vector<16xi32>
    %convert_element_type3A_975 = arith.extui %eq3A_974 : vector<16xi1> to vector<16xi32>
    %convert_element_type3A_976 = arith.sitofp %convert_element_type3A_975 : vector<16xi32> to vector<16xf32>
    %sub3A_977 = arith.constant 1.000000e+00 : f32
    %sub3A_978 = vector.broadcast %sub3A_977 : f32 to vector<16xf32>
    %sub3A_979 = arith.subf %sub3A_978, %convert_element_type3A_976 : vector<16xf32>
    %swap3A_980 = arith.constant 8 : i32
    %swap3A_981 = arith.index_cast %swap3A_980 : i32 to index
    %swap3A_982 = arith.constant 0 : index
    %swap3A_983 = tpu.vector_load %arg5[%swap3A_981, %swap3A_982] {strides = array<i32>} : memref<16x128xf32, #tpu.memory_space<vmem>>, vector<16xf32>,
    tpu.vector_store %arg5[%swap3A_981, %swap3A_982], %sub3A_979 {strides = array<i32>} : memref<16x128xf32, #tpu.memory_space<vmem>>, vector<16xf32>,
    %swap3A_984 = arith.constant 9 : i32
    %swap3A_985 = arith.index_cast %swap3A_984 : i32 to index
    %swap3A_986 = arith.constant 0 : index
    %swap3A_987 = tpu.vector_load %arg5[%swap3A_985, %swap3A_986] {strides = array<i32>} : memref<16x128xf32, #tpu.memory_space<vmem>>, vector<16xf32>,
    tpu.vector_store %arg5[%swap3A_985, %swap3A_986], %convert_element_type3A_976 {strides = array<i32>} : memref<16x128xf32, #tpu.memory_space<vmem>>, vector<16xf32>,
    %get3A_988 = arith.constant 528 : index
    %get3A_989 = tpu.vector_load %arg4[%get3A_988] {strides = array<i32>} : memref<1024xi32, #tpu.memory_space<vmem>>, vector<16xi32>,
    %add3A_990 = arith.constant 1 : i32
    %add3A_991 = vector.broadcast %add3A_990 : i32 to vector<16xi32>
    %add3A_992 = arith.addi %get3A_989, %add3A_991 : vector<16xi32>
    %convert_element_type3A_993 = arith.sitofp %add3A_992 : vector<16xi32> to vector<16xf32>
    %mul3A_994 = arith.constant 2.000000e-01 : f32
    %mul3A_995 = vector.broadcast %mul3A_994 : f32 to vector<16xf32>
    %mul3A_996 = arith.mulf %convert_element_type3A_993, %mul3A_995 : vector<16xf32>
    %add3A_997 = arith.constant 5.000000e-01 : f32
    %add3A_998 = vector.broadcast %add3A_997 : f32 to vector<16xf32>
    %add3A_999 = arith.addf %mul3A_996, %add3A_998 : vector<16xf32>
    %convert_element_type3A_1000 = arith.fptosi %add3A_999 : vector<16xf32> to vector<16xi32>
    %mul3A_1001 = arith.constant 5 : i32
    %mul3A_1002 = vector.broadcast %mul3A_1001 : i32 to vector<16xi32>
    %mul3A_1003 = arith.muli %convert_element_type3A_1000, %mul3A_1002 : vector<16xi32>
    %eq3A_1004 = arith.cmpi eq, %mul3A_1003, %add3A_992 : vector<16xi32>
    %convert_element_type3A_1005 = arith.extui %eq3A_1004 : vector<16xi1> to vector<16xi32>
    %convert_element_type3A_1006 = arith.sitofp %convert_element_type3A_1005 : vector<16xi32> to vector<16xf32>
    %sub3A_1007 = arith.constant 1.000000e+00 : f32
    %sub3A_1008 = vector.broadcast %sub3A_1007 : f32 to vector<16xf32>
    %sub3A_1009 = arith.subf %sub3A_1008, %convert_element_type3A_1006 : vector<16xf32>
    %swap3A_1010 = arith.constant 8 : i32
    %swap3A_1011 = arith.index_cast %swap3A_1010 : i32 to index
    %swap3A_1012 = arith.constant 16 : index
    %swap3A_1013 = tpu.vector_load %arg5[%swap3A_1011, %swap3A_1012] {strides = array<i32>} : memref<16x128xf32, #tpu.memory_space<vmem>>, vector<16xf32>,
    tpu.vector_store %arg5[%swap3A_1011, %swap3A_1012], %sub3A_1009 {strides = array<i32>} : memref<16x128xf32, #tpu.memory_space<vmem>>, vector<16xf32>,
    %swap3A_1014 = arith.constant 9 : i32
    %swap3A_1015 = arith.index_cast %swap3A_1014 : i32 to index
    %swap3A_1016 = arith.constant 16 : index
    %swap3A_1017 = tpu.vector_load %arg5[%swap3A_1015, %swap3A_1016] {strides = array<i32>} : memref<16x128xf32, #tpu.memory_space<vmem>>, vector<16xf32>,
    tpu.vector_store %arg5[%swap3A_1015, %swap3A_1016], %convert_element_type3A_1006 {strides = array<i32>} : memref<16x128xf32, #tpu.memory_space<vmem>>, vector<16xf32>,
    %get3A_1018 = arith.constant 544 : index
    %get3A_1019 = tpu.vector_load %arg4[%get3A_1018] {strides = array<i32>} : memref<1024xi32, #tpu.memory_space<vmem>>, vector<16xi32>,
    %add3A_1020 = arith.constant 1 : i32
    %add3A_1021 = vector.broadcast %add3A_1020 : i32 to vector<16xi32>
    %add3A_1022 = arith.addi %get3A_1019, %add3A_1021 : vector<16xi32>
    %convert_element_type3A_1023 = arith.sitofp %add3A_1022 : vector<16xi32> to vector<16xf32>
    %mul3A_1024 = arith.constant 2.000000e-01 : f32
    %mul3A_1025 = vector.broadcast %mul3A_1024 : f32 to vector<16xf32>
    %mul3A_1026 = arith.mulf %convert_element_type3A_1023, %mul3A_1025 : vector<16xf32>
    %add3A_1027 = arith.constant 5.000000e-01 : f32
    %add3A_1028 = vector.broadcast %add3A_1027 : f32 to vector<16xf32>
    %add3A_1029 = arith.addf %mul3A_1026, %add3A_1028 : vector<16xf32>
    %convert_element_type3A_1030 = arith.fptosi %add3A_1029 : vector<16xf32> to vector<16xi32>
    %mul3A_1031 = arith.constant 5 : i32
    %mul3A_1032 = vector.broadcast %mul3A_1031 : i32 to vector<16xi32>
    %mul3A_1033 = arith.muli %convert_element_type3A_1030, %mul3A_1032 : vector<16xi32>
    %eq3A_1034 = arith.cmpi eq, %mul3A_1033, %add3A_1022 : vector<16xi32>
    %convert_element_type3A_1035 = arith.extui %eq3A_1034 : vector<16xi1> to vector<16xi32>
    %convert_element_type3A_1036 = arith.sitofp %convert_element_type3A_1035 : vector<16xi32> to vector<16xf32>
    %sub3A_1037 = arith.constant 1.000000e+00 : f32
    %sub3A_1038 = vector.broadcast %sub3A_1037 : f32 to vector<16xf32>
    %sub3A_1039 = arith.subf %sub3A_1038, %convert_element_type3A_1036 : vector<16xf32>
    %swap3A_1040 = arith.constant 8 : i32
    %swap3A_1041 = arith.index_cast %swap3A_1040 : i32 to index
    %swap3A_1042 = arith.constant 32 : index
    %swap3A_1043 = tpu.vector_load %arg5[%swap3A_1041, %swap3A_1042] {strides = array<i32>} : memref<16x128xf32, #tpu.memory_space<vmem>>, vector<16xf32>,
    tpu.vector_store %arg5[%swap3A_1041, %swap3A_1042], %sub3A_1039 {strides = array<i32>} : memref<16x128xf32, #tpu.memory_space<vmem>>, vector<16xf32>,
    %swap3A_1044 = arith.constant 9 : i32
    %swap3A_1045 = arith.index_cast %swap3A_1044 : i32 to index
    %swap3A_1046 = arith.constant 32 : index
    %swap3A_1047 = tpu.vector_load %arg5[%swap3A_1045, %swap3A_1046] {strides = array<i32>} : memref<16x128xf32, #tpu.memory_space<vmem>>, vector<16xf32>,
    tpu.vector_store %arg5[%swap3A_1045, %swap3A_1046], %convert_element_type3A_1036 {strides = array<i32>} : memref<16x128xf32, #tpu.memory_space<vmem>>, vector<16xf32>,
    %get3A_1048 = arith.constant 560 : index
    %get3A_1049 = tpu.vector_load %arg4[%get3A_1048] {strides = array<i32>} : memref<1024xi32, #tpu.memory_space<vmem>>, vector<16xi32>,
    %add3A_1050 = arith.constant 1 : i32
    %add3A_1051 = vector.broadcast %add3A_1050 : i32 to vector<16xi32>
    %add3A_1052 = arith.addi %get3A_1049, %add3A_1051 : vector<16xi32>
    %convert_element_type3A_1053 = arith.sitofp %add3A_1052 : vector<16xi32> to vector<16xf32>
    %mul3A_1054 = arith.constant 2.000000e-01 : f32
    %mul3A_1055 = vector.broadcast %mul3A_1054 : f32 to vector<16xf32>
    %mul3A_1056 = arith.mulf %convert_element_type3A_1053, %mul3A_1055 : vector<16xf32>
    %add3A_1057 = arith.constant 5.000000e-01 : f32
    %add3A_1058 = vector.broadcast %add3A_1057 : f32 to vector<16xf32>
    %add3A_1059 = arith.addf %mul3A_1056, %add3A_1058 : vector<16xf32>
    %convert_element_type3A_1060 = arith.fptosi %add3A_1059 : vector<16xf32> to vector<16xi32>
    %mul3A_1061 = arith.constant 5 : i32
    %mul3A_1062 = vector.broadcast %mul3A_1061 : i32 to vector<16xi32>
    %mul3A_1063 = arith.muli %convert_element_type3A_1060, %mul3A_1062 : vector<16xi32>
    %eq3A_1064 = arith.cmpi eq, %mul3A_1063, %add3A_1052 : vector<16xi32>
    %convert_element_type3A_1065 = arith.extui %eq3A_1064 : vector<16xi1> to vector<16xi32>
    %convert_element_type3A_1066 = arith.sitofp %convert_element_type3A_1065 : vector<16xi32> to vector<16xf32>
    %sub3A_1067 = arith.constant 1.000000e+00 : f32
    %sub3A_1068 = vector.broadcast %sub3A_1067 : f32 to vector<16xf32>
    %sub3A_1069 = arith.subf %sub3A_1068, %convert_element_type3A_1066 : vector<16xf32>
    %swap3A_1070 = arith.constant 8 : i32
    %swap3A_1071 = arith.index_cast %swap3A_1070 : i32 to index
    %swap3A_1072 = arith.constant 48 : index
    %swap3A_1073 = tpu.vector_load %arg5[%swap3A_1071, %swap3A_1072] {strides = array<i32>} : memref<16x128xf32, #tpu.memory_space<vmem>>, vector<16xf32>,
    tpu.vector_store %arg5[%swap3A_1071, %swap3A_1072], %sub3A_1069 {strides = array<i32>} : memref<16x128xf32, #tpu.memory_space<vmem>>, vector<16xf32>,
    %swap3A_1074 = arith.constant 9 : i32
    %swap3A_1075 = arith.index_cast %swap3A_1074 : i32 to index
    %swap3A_1076 = arith.constant 48 : index
    %swap3A_1077 = tpu.vector_load %arg5[%swap3A_1075, %swap3A_1076] {strides = array<i32>} : memref<16x128xf32, #tpu.memory_space<vmem>>, vector<16xf32>,
    tpu.vector_store %arg5[%swap3A_1075, %swap3A_1076], %convert_element_type3A_1066 {strides = array<i32>} : memref<16x128xf32, #tpu.memory_space<vmem>>, vector<16xf32>,
    %get3A_1078 = arith.constant 576 : index
    %get3A_1079 = tpu.vector_load %arg4[%get3A_1078] {strides = array<i32>} : memref<1024xi32, #tpu.memory_space<vmem>>, vector<16xi32>,
    %add3A_1080 = arith.constant 1 : i32
    %add3A_1081 = vector.broadcast %add3A_1080 : i32 to vector<16xi32>
    %add3A_1082 = arith.addi %get3A_1079, %add3A_1081 : vector<16xi32>
    %convert_element_type3A_1083 = arith.sitofp %add3A_1082 : vector<16xi32> to vector<16xf32>
    %mul3A_1084 = arith.constant 2.000000e-01 : f32
    %mul3A_1085 = vector.broadcast %mul3A_1084 : f32 to vector<16xf32>
    %mul3A_1086 = arith.mulf %convert_element_type3A_1083, %mul3A_1085 : vector<16xf32>
    %add3A_1087 = arith.constant 5.000000e-01 : f32
    %add3A_1088 = vector.broadcast %add3A_1087 : f32 to vector<16xf32>
    %add3A_1089 = arith.addf %mul3A_1086, %add3A_1088 : vector<16xf32>
    %convert_element_type3A_1090 = arith.fptosi %add3A_1089 : vector<16xf32> to vector<16xi32>
    %mul3A_1091 = arith.constant 5 : i32
    %mul3A_1092 = vector.broadcast %mul3A_1091 : i32 to vector<16xi32>
    %mul3A_1093 = arith.muli %convert_element_type3A_1090, %mul3A_1092 : vector<16xi32>
    %eq3A_1094 = arith.cmpi eq, %mul3A_1093, %add3A_1082 : vector<16xi32>
    %convert_element_type3A_1095 = arith.extui %eq3A_1094 : vector<16xi1> to vector<16xi32>
    %convert_element_type3A_1096 = arith.sitofp %convert_element_type3A_1095 : vector<16xi32> to vector<16xf32>
    %sub3A_1097 = arith.constant 1.000000e+00 : f32
    %sub3A_1098 = vector.broadcast %sub3A_1097 : f32 to vector<16xf32>
    %sub3A_1099 = arith.subf %sub3A_1098, %convert_element_type3A_1096 : vector<16xf32>
    %swap3A_1100 = arith.constant 8 : i32
    %swap3A_1101 = arith.index_cast %swap3A_1100 : i32 to index
    %swap3A_1102 = arith.constant 64 : index
    %swap3A_1103 = tpu.vector_load %arg5[%swap3A_1101, %swap3A_1102] {strides = array<i32>} : memref<16x128xf32, #tpu.memory_space<vmem>>, vector<16xf32>,
    tpu.vector_store %arg5[%swap3A_1101, %swap3A_1102], %sub3A_1099 {strides = array<i32>} : memref<16x128xf32, #tpu.memory_space<vmem>>, vector<16xf32>,
    %swap3A_1104 = arith.constant 9 : i32
    %swap3A_1105 = arith.index_cast %swap3A_1104 : i32 to index
    %swap3A_1106 = arith.constant 64 : index
    %swap3A_1107 = tpu.vector_load %arg5[%swap3A_1105, %swap3A_1106] {strides = array<i32>} : memref<16x128xf32, #tpu.memory_space<vmem>>, vector<16xf32>,
    tpu.vector_store %arg5[%swap3A_1105, %swap3A_1106], %convert_element_type3A_1096 {strides = array<i32>} : memref<16x128xf32, #tpu.memory_space<vmem>>, vector<16xf32>,
    %get3A_1108 = arith.constant 592 : index
    %get3A_1109 = tpu.vector_load %arg4[%get3A_1108] {strides = array<i32>} : memref<1024xi32, #tpu.memory_space<vmem>>, vector<16xi32>,
    %add3A_1110 = arith.constant 1 : i32
    %add3A_1111 = vector.broadcast %add3A_1110 : i32 to vector<16xi32>
    %add3A_1112 = arith.addi %get3A_1109, %add3A_1111 : vector<16xi32>
    %convert_element_type3A_1113 = arith.sitofp %add3A_1112 : vector<16xi32> to vector<16xf32>
    %mul3A_1114 = arith.constant 2.000000e-01 : f32
    %mul3A_1115 = vector.broadcast %mul3A_1114 : f32 to vector<16xf32>
    %mul3A_1116 = arith.mulf %convert_element_type3A_1113, %mul3A_1115 : vector<16xf32>
    %add3A_1117 = arith.constant 5.000000e-01 : f32
    %add3A_1118 = vector.broadcast %add3A_1117 : f32 to vector<16xf32>
    %add3A_1119 = arith.addf %mul3A_1116, %add3A_1118 : vector<16xf32>
    %convert_element_type3A_1120 = arith.fptosi %add3A_1119 : vector<16xf32> to vector<16xi32>
    %mul3A_1121 = arith.constant 5 : i32
    %mul3A_1122 = vector.broadcast %mul3A_1121 : i32 to vector<16xi32>
    %mul3A_1123 = arith.muli %convert_element_type3A_1120, %mul3A_1122 : vector<16xi32>
    %eq3A_1124 = arith.cmpi eq, %mul3A_1123, %add3A_1112 : vector<16xi32>
    %convert_element_type3A_1125 = arith.extui %eq3A_1124 : vector<16xi1> to vector<16xi32>
    %convert_element_type3A_1126 = arith.sitofp %convert_element_type3A_1125 : vector<16xi32> to vector<16xf32>
    %sub3A_1127 = arith.constant 1.000000e+00 : f32
    %sub3A_1128 = vector.broadcast %sub3A_1127 : f32 to vector<16xf32>
    %sub3A_1129 = arith.subf %sub3A_1128, %convert_element_type3A_1126 : vector<16xf32>
    %swap3A_1130 = arith.constant 8 : i32
    %swap3A_1131 = arith.index_cast %swap3A_1130 : i32 to index
    %swap3A_1132 = arith.constant 80 : index
    %swap3A_1133 = tpu.vector_load %arg5[%swap3A_1131, %swap3A_1132] {strides = array<i32>} : memref<16x128xf32, #tpu.memory_space<vmem>>, vector<16xf32>,
    tpu.vector_store %arg5[%swap3A_1131, %swap3A_1132], %sub3A_1129 {strides = array<i32>} : memref<16x128xf32, #tpu.memory_space<vmem>>, vector<16xf32>,
    %swap3A_1134 = arith.constant 9 : i32
    %swap3A_1135 = arith.index_cast %swap3A_1134 : i32 to index
    %swap3A_1136 = arith.constant 80 : index
    %swap3A_1137 = tpu.vector_load %arg5[%swap3A_1135, %swap3A_1136] {strides = array<i32>} : memref<16x128xf32, #tpu.memory_space<vmem>>, vector<16xf32>,
    tpu.vector_store %arg5[%swap3A_1135, %swap3A_1136], %convert_element_type3A_1126 {strides = array<i32>} : memref<16x128xf32, #tpu.memory_space<vmem>>, vector<16xf32>,
    %get3A_1138 = arith.constant 608 : index
    %get3A_1139 = tpu.vector_load %arg4[%get3A_1138] {strides = array<i32>} : memref<1024xi32, #tpu.memory_space<vmem>>, vector<16xi32>,
    %add3A_1140 = arith.constant 1 : i32
    %add3A_1141 = vector.broadcast %add3A_1140 : i32 to vector<16xi32>
    %add3A_1142 = arith.addi %get3A_1139, %add3A_1141 : vector<16xi32>
    %convert_element_type3A_1143 = arith.sitofp %add3A_1142 : vector<16xi32> to vector<16xf32>
    %mul3A_1144 = arith.constant 2.000000e-01 : f32
    %mul3A_1145 = vector.broadcast %mul3A_1144 : f32 to vector<16xf32>
    %mul3A_1146 = arith.mulf %convert_element_type3A_1143, %mul3A_1145 : vector<16xf32>
    %add3A_1147 = arith.constant 5.000000e-01 : f32
    %add3A_1148 = vector.broadcast %add3A_1147 : f32 to vector<16xf32>
    %add3A_1149 = arith.addf %mul3A_1146, %add3A_1148 : vector<16xf32>
    %convert_element_type3A_1150 = arith.fptosi %add3A_1149 : vector<16xf32> to vector<16xi32>
    %mul3A_1151 = arith.constant 5 : i32
    %mul3A_1152 = vector.broadcast %mul3A_1151 : i32 to vector<16xi32>
    %mul3A_1153 = arith.muli %convert_element_type3A_1150, %mul3A_1152 : vector<16xi32>
    %eq3A_1154 = arith.cmpi eq, %mul3A_1153, %add3A_1142 : vector<16xi32>
    %convert_element_type3A_1155 = arith.extui %eq3A_1154 : vector<16xi1> to vector<16xi32>
    %convert_element_type3A_1156 = arith.sitofp %convert_element_type3A_1155 : vector<16xi32> to vector<16xf32>
    %sub3A_1157 = arith.constant 1.000000e+00 : f32
    %sub3A_1158 = vector.broadcast %sub3A_1157 : f32 to vector<16xf32>
    %sub3A_1159 = arith.subf %sub3A_1158, %convert_element_type3A_1156 : vector<16xf32>
    %swap3A_1160 = arith.constant 8 : i32
    %swap3A_1161 = arith.index_cast %swap3A_1160 : i32 to index
    %swap3A_1162 = arith.constant 96 : index
    %swap3A_1163 = tpu.vector_load %arg5[%swap3A_1161, %swap3A_1162] {strides = array<i32>} : memref<16x128xf32, #tpu.memory_space<vmem>>, vector<16xf32>,
    tpu.vector_store %arg5[%swap3A_1161, %swap3A_1162], %sub3A_1159 {strides = array<i32>} : memref<16x128xf32, #tpu.memory_space<vmem>>, vector<16xf32>,
    %swap3A_1164 = arith.constant 9 : i32
    %swap3A_1165 = arith.index_cast %swap3A_1164 : i32 to index
    %swap3A_1166 = arith.constant 96 : index
    %swap3A_1167 = tpu.vector_load %arg5[%swap3A_1165, %swap3A_1166] {strides = array<i32>} : memref<16x128xf32, #tpu.memory_space<vmem>>, vector<16xf32>,
    tpu.vector_store %arg5[%swap3A_1165, %swap3A_1166], %convert_element_type3A_1156 {strides = array<i32>} : memref<16x128xf32, #tpu.memory_space<vmem>>, vector<16xf32>,
    %get3A_1168 = arith.constant 624 : index
    %get3A_1169 = tpu.vector_load %arg4[%get3A_1168] {strides = array<i32>} : memref<1024xi32, #tpu.memory_space<vmem>>, vector<16xi32>,
    %add3A_1170 = arith.constant 1 : i32
    %add3A_1171 = vector.broadcast %add3A_1170 : i32 to vector<16xi32>
    %add3A_1172 = arith.addi %get3A_1169, %add3A_1171 : vector<16xi32>
    %convert_element_type3A_1173 = arith.sitofp %add3A_1172 : vector<16xi32> to vector<16xf32>
    %mul3A_1174 = arith.constant 2.000000e-01 : f32
    %mul3A_1175 = vector.broadcast %mul3A_1174 : f32 to vector<16xf32>
    %mul3A_1176 = arith.mulf %convert_element_type3A_1173, %mul3A_1175 : vector<16xf32>
    %add3A_1177 = arith.constant 5.000000e-01 : f32
    %add3A_1178 = vector.broadcast %add3A_1177 : f32 to vector<16xf32>
    %add3A_1179 = arith.addf %mul3A_1176, %add3A_1178 : vector<16xf32>
    %convert_element_type3A_1180 = arith.fptosi %add3A_1179 : vector<16xf32> to vector<16xi32>
    %mul3A_1181 = arith.constant 5 : i32
    %mul3A_1182 = vector.broadcast %mul3A_1181 : i32 to vector<16xi32>
    %mul3A_1183 = arith.muli %convert_element_type3A_1180, %mul3A_1182 : vector<16xi32>
    %eq3A_1184 = arith.cmpi eq, %mul3A_1183, %add3A_1172 : vector<16xi32>
    %convert_element_type3A_1185 = arith.extui %eq3A_1184 : vector<16xi1> to vector<16xi32>
    %convert_element_type3A_1186 = arith.sitofp %convert_element_type3A_1185 : vector<16xi32> to vector<16xf32>
    %sub3A_1187 = arith.constant 1.000000e+00 : f32
    %sub3A_1188 = vector.broadcast %sub3A_1187 : f32 to vector<16xf32>
    %sub3A_1189 = arith.subf %sub3A_1188, %convert_element_type3A_1186 : vector<16xf32>
    %swap3A_1190 = arith.constant 8 : i32
    %swap3A_1191 = arith.index_cast %swap3A_1190 : i32 to index
    %swap3A_1192 = arith.constant 112 : index
    %swap3A_1193 = tpu.vector_load %arg5[%swap3A_1191, %swap3A_1192] {strides = array<i32>} : memref<16x128xf32, #tpu.memory_space<vmem>>, vector<16xf32>,
    tpu.vector_store %arg5[%swap3A_1191, %swap3A_1192], %sub3A_1189 {strides = array<i32>} : memref<16x128xf32, #tpu.memory_space<vmem>>, vector<16xf32>,
    %swap3A_1194 = arith.constant 9 : i32
    %swap3A_1195 = arith.index_cast %swap3A_1194 : i32 to index
    %swap3A_1196 = arith.constant 112 : index
    %swap3A_1197 = tpu.vector_load %arg5[%swap3A_1195, %swap3A_1196] {strides = array<i32>} : memref<16x128xf32, #tpu.memory_space<vmem>>, vector<16xf32>,
    tpu.vector_store %arg5[%swap3A_1195, %swap3A_1196], %convert_element_type3A_1186 {strides = array<i32>} : memref<16x128xf32, #tpu.memory_space<vmem>>, vector<16xf32>,
    %get3A_1198 = arith.constant 640 : index
    %get3A_1199 = tpu.vector_load %arg4[%get3A_1198] {strides = array<i32>} : memref<1024xi32, #tpu.memory_space<vmem>>, vector<16xi32>,
    %add3A_1200 = arith.constant 1 : i32
    %add3A_1201 = vector.broadcast %add3A_1200 : i32 to vector<16xi32>
    %add3A_1202 = arith.addi %get3A_1199, %add3A_1201 : vector<16xi32>
    %convert_element_type3A_1203 = arith.sitofp %add3A_1202 : vector<16xi32> to vector<16xf32>
    %mul3A_1204 = arith.constant 2.000000e-01 : f32
    %mul3A_1205 = vector.broadcast %mul3A_1204 : f32 to vector<16xf32>
    %mul3A_1206 = arith.mulf %convert_element_type3A_1203, %mul3A_1205 : vector<16xf32>
    %add3A_1207 = arith.constant 5.000000e-01 : f32
    %add3A_1208 = vector.broadcast %add3A_1207 : f32 to vector<16xf32>
    %add3A_1209 = arith.addf %mul3A_1206, %add3A_1208 : vector<16xf32>
    %convert_element_type3A_1210 = arith.fptosi %add3A_1209 : vector<16xf32> to vector<16xi32>
    %mul3A_1211 = arith.constant 5 : i32
    %mul3A_1212 = vector.broadcast %mul3A_1211 : i32 to vector<16xi32>
    %mul3A_1213 = arith.muli %convert_element_type3A_1210, %mul3A_1212 : vector<16xi32>
    %eq3A_1214 = arith.cmpi eq, %mul3A_1213, %add3A_1202 : vector<16xi32>
    %convert_element_type3A_1215 = arith.extui %eq3A_1214 : vector<16xi1> to vector<16xi32>
    %convert_element_type3A_1216 = arith.sitofp %convert_element_type3A_1215 : vector<16xi32> to vector<16xf32>
    %sub3A_1217 = arith.constant 1.000000e+00 : f32
    %sub3A_1218 = vector.broadcast %sub3A_1217 : f32 to vector<16xf32>
    %sub3A_1219 = arith.subf %sub3A_1218, %convert_element_type3A_1216 : vector<16xf32>
    %swap3A_1220 = arith.constant 10 : i32
    %swap3A_1221 = arith.index_cast %swap3A_1220 : i32 to index
    %swap3A_1222 = arith.constant 0 : index
    %swap3A_1223 = tpu.vector_load %arg5[%swap3A_1221, %swap3A_1222] {strides = array<i32>} : memref<16x128xf32, #tpu.memory_space<vmem>>, vector<16xf32>,
    tpu.vector_store %arg5[%swap3A_1221, %swap3A_1222], %sub3A_1219 {strides = array<i32>} : memref<16x128xf32, #tpu.memory_space<vmem>>, vector<16xf32>,
    %swap3A_1224 = arith.constant 11 : i32
    %swap3A_1225 = arith.index_cast %swap3A_1224 : i32 to index
    %swap3A_1226 = arith.constant 0 : index
    %swap3A_1227 = tpu.vector_load %arg5[%swap3A_1225, %swap3A_1226] {strides = array<i32>} : memref<16x128xf32, #tpu.memory_space<vmem>>, vector<16xf32>,
    tpu.vector_store %arg5[%swap3A_1225, %swap3A_1226], %convert_element_type3A_1216 {strides = array<i32>} : memref<16x128xf32, #tpu.memory_space<vmem>>, vector<16xf32>,
    %get3A_1228 = arith.constant 656 : index
    %get3A_1229 = tpu.vector_load %arg4[%get3A_1228] {strides = array<i32>} : memref<1024xi32, #tpu.memory_space<vmem>>, vector<16xi32>,
    %add3A_1230 = arith.constant 1 : i32
    %add3A_1231 = vector.broadcast %add3A_1230 : i32 to vector<16xi32>
    %add3A_1232 = arith.addi %get3A_1229, %add3A_1231 : vector<16xi32>
    %convert_element_type3A_1233 = arith.sitofp %add3A_1232 : vector<16xi32> to vector<16xf32>
    %mul3A_1234 = arith.constant 2.000000e-01 : f32
    %mul3A_1235 = vector.broadcast %mul3A_1234 : f32 to vector<16xf32>
    %mul3A_1236 = arith.mulf %convert_element_type3A_1233, %mul3A_1235 : vector<16xf32>
    %add3A_1237 = arith.constant 5.000000e-01 : f32
    %add3A_1238 = vector.broadcast %add3A_1237 : f32 to vector<16xf32>
    %add3A_1239 = arith.addf %mul3A_1236, %add3A_1238 : vector<16xf32>
    %convert_element_type3A_1240 = arith.fptosi %add3A_1239 : vector<16xf32> to vector<16xi32>
    %mul3A_1241 = arith.constant 5 : i32
    %mul3A_1242 = vector.broadcast %mul3A_1241 : i32 to vector<16xi32>
    %mul3A_1243 = arith.muli %convert_element_type3A_1240, %mul3A_1242 : vector<16xi32>
    %eq3A_1244 = arith.cmpi eq, %mul3A_1243, %add3A_1232 : vector<16xi32>
    %convert_element_type3A_1245 = arith.extui %eq3A_1244 : vector<16xi1> to vector<16xi32>
    %convert_element_type3A_1246 = arith.sitofp %convert_element_type3A_1245 : vector<16xi32> to vector<16xf32>
    %sub3A_1247 = arith.constant 1.000000e+00 : f32
    %sub3A_1248 = vector.broadcast %sub3A_1247 : f32 to vector<16xf32>
    %sub3A_1249 = arith.subf %sub3A_1248, %convert_element_type3A_1246 : vector<16xf32>
    %swap3A_1250 = arith.constant 10 : i32
    %swap3A_1251 = arith.index_cast %swap3A_1250 : i32 to index
    %swap3A_1252 = arith.constant 16 : index
    %swap3A_1253 = tpu.vector_load %arg5[%swap3A_1251, %swap3A_1252] {strides = array<i32>} : memref<16x128xf32, #tpu.memory_space<vmem>>, vector<16xf32>,
    tpu.vector_store %arg5[%swap3A_1251, %swap3A_1252], %sub3A_1249 {strides = array<i32>} : memref<16x128xf32, #tpu.memory_space<vmem>>, vector<16xf32>,
    %swap3A_1254 = arith.constant 11 : i32
    %swap3A_1255 = arith.index_cast %swap3A_1254 : i32 to index
    %swap3A_1256 = arith.constant 16 : index
    %swap3A_1257 = tpu.vector_load %arg5[%swap3A_1255, %swap3A_1256] {strides = array<i32>} : memref<16x128xf32, #tpu.memory_space<vmem>>, vector<16xf32>,
    tpu.vector_store %arg5[%swap3A_1255, %swap3A_1256], %convert_element_type3A_1246 {strides = array<i32>} : memref<16x128xf32, #tpu.memory_space<vmem>>, vector<16xf32>,
    %get3A_1258 = arith.constant 672 : index
    %get3A_1259 = tpu.vector_load %arg4[%get3A_1258] {strides = array<i32>} : memref<1024xi32, #tpu.memory_space<vmem>>, vector<16xi32>,
    %add3A_1260 = arith.constant 1 : i32
    %add3A_1261 = vector.broadcast %add3A_1260 : i32 to vector<16xi32>
    %add3A_1262 = arith.addi %get3A_1259, %add3A_1261 : vector<16xi32>
    %convert_element_type3A_1263 = arith.sitofp %add3A_1262 : vector<16xi32> to vector<16xf32>
    %mul3A_1264 = arith.constant 2.000000e-01 : f32
    %mul3A_1265 = vector.broadcast %mul3A_1264 : f32 to vector<16xf32>
    %mul3A_1266 = arith.mulf %convert_element_type3A_1263, %mul3A_1265 : vector<16xf32>
    %add3A_1267 = arith.constant 5.000000e-01 : f32
    %add3A_1268 = vector.broadcast %add3A_1267 : f32 to vector<16xf32>
    %add3A_1269 = arith.addf %mul3A_1266, %add3A_1268 : vector<16xf32>
    %convert_element_type3A_1270 = arith.fptosi %add3A_1269 : vector<16xf32> to vector<16xi32>
    %mul3A_1271 = arith.constant 5 : i32
    %mul3A_1272 = vector.broadcast %mul3A_1271 : i32 to vector<16xi32>
    %mul3A_1273 = arith.muli %convert_element_type3A_1270, %mul3A_1272 : vector<16xi32>
    %eq3A_1274 = arith.cmpi eq, %mul3A_1273, %add3A_1262 : vector<16xi32>
    %convert_element_type3A_1275 = arith.extui %eq3A_1274 : vector<16xi1> to vector<16xi32>
    %convert_element_type3A_1276 = arith.sitofp %convert_element_type3A_1275 : vector<16xi32> to vector<16xf32>
    %sub3A_1277 = arith.constant 1.000000e+00 : f32
    %sub3A_1278 = vector.broadcast %sub3A_1277 : f32 to vector<16xf32>
    %sub3A_1279 = arith.subf %sub3A_1278, %convert_element_type3A_1276 : vector<16xf32>
    %swap3A_1280 = arith.constant 10 : i32
    %swap3A_1281 = arith.index_cast %swap3A_1280 : i32 to index
    %swap3A_1282 = arith.constant 32 : index
    %swap3A_1283 = tpu.vector_load %arg5[%swap3A_1281, %swap3A_1282] {strides = array<i32>} : memref<16x128xf32, #tpu.memory_space<vmem>>, vector<16xf32>,
    tpu.vector_store %arg5[%swap3A_1281, %swap3A_1282], %sub3A_1279 {strides = array<i32>} : memref<16x128xf32, #tpu.memory_space<vmem>>, vector<16xf32>,
    %swap3A_1284 = arith.constant 11 : i32
    %swap3A_1285 = arith.index_cast %swap3A_1284 : i32 to index
    %swap3A_1286 = arith.constant 32 : index
    %swap3A_1287 = tpu.vector_load %arg5[%swap3A_1285, %swap3A_1286] {strides = array<i32>} : memref<16x128xf32, #tpu.memory_space<vmem>>, vector<16xf32>,
    tpu.vector_store %arg5[%swap3A_1285, %swap3A_1286], %convert_element_type3A_1276 {strides = array<i32>} : memref<16x128xf32, #tpu.memory_space<vmem>>, vector<16xf32>,
    %get3A_1288 = arith.constant 688 : index
    %get3A_1289 = tpu.vector_load %arg4[%get3A_1288] {strides = array<i32>} : memref<1024xi32, #tpu.memory_space<vmem>>, vector<16xi32>,
    %add3A_1290 = arith.constant 1 : i32
    %add3A_1291 = vector.broadcast %add3A_1290 : i32 to vector<16xi32>
    %add3A_1292 = arith.addi %get3A_1289, %add3A_1291 : vector<16xi32>
    %convert_element_type3A_1293 = arith.sitofp %add3A_1292 : vector<16xi32> to vector<16xf32>
    %mul3A_1294 = arith.constant 2.000000e-01 : f32
    %mul3A_1295 = vector.broadcast %mul3A_1294 : f32 to vector<16xf32>
    %mul3A_1296 = arith.mulf %convert_element_type3A_1293, %mul3A_1295 : vector<16xf32>
    %add3A_1297 = arith.constant 5.000000e-01 : f32
    %add3A_1298 = vector.broadcast %add3A_1297 : f32 to vector<16xf32>
    %add3A_1299 = arith.addf %mul3A_1296, %add3A_1298 : vector<16xf32>
    %convert_element_type3A_1300 = arith.fptosi %add3A_1299 : vector<16xf32> to vector<16xi32>
    %mul3A_1301 = arith.constant 5 : i32
    %mul3A_1302 = vector.broadcast %mul3A_1301 : i32 to vector<16xi32>
    %mul3A_1303 = arith.muli %convert_element_type3A_1300, %mul3A_1302 : vector<16xi32>
    %eq3A_1304 = arith.cmpi eq, %mul3A_1303, %add3A_1292 : vector<16xi32>
    %convert_element_type3A_1305 = arith.extui %eq3A_1304 : vector<16xi1> to vector<16xi32>
    %convert_element_type3A_1306 = arith.sitofp %convert_element_type3A_1305 : vector<16xi32> to vector<16xf32>
    %sub3A_1307 = arith.constant 1.000000e+00 : f32
    %sub3A_1308 = vector.broadcast %sub3A_1307 : f32 to vector<16xf32>
    %sub3A_1309 = arith.subf %sub3A_1308, %convert_element_type3A_1306 : vector<16xf32>
    %swap3A_1310 = arith.constant 10 : i32
    %swap3A_1311 = arith.index_cast %swap3A_1310 : i32 to index
    %swap3A_1312 = arith.constant 48 : index
    %swap3A_1313 = tpu.vector_load %arg5[%swap3A_1311, %swap3A_1312] {strides = array<i32>} : memref<16x128xf32, #tpu.memory_space<vmem>>, vector<16xf32>,
    tpu.vector_store %arg5[%swap3A_1311, %swap3A_1312], %sub3A_1309 {strides = array<i32>} : memref<16x128xf32, #tpu.memory_space<vmem>>, vector<16xf32>,
    %swap3A_1314 = arith.constant 11 : i32
    %swap3A_1315 = arith.index_cast %swap3A_1314 : i32 to index
    %swap3A_1316 = arith.constant 48 : index
    %swap3A_1317 = tpu.vector_load %arg5[%swap3A_1315, %swap3A_1316] {strides = array<i32>} : memref<16x128xf32, #tpu.memory_space<vmem>>, vector<16xf32>,
    tpu.vector_store %arg5[%swap3A_1315, %swap3A_1316], %convert_element_type3A_1306 {strides = array<i32>} : memref<16x128xf32, #tpu.memory_space<vmem>>, vector<16xf32>,
    %get3A_1318 = arith.constant 704 : index
    %get3A_1319 = tpu.vector_load %arg4[%get3A_1318] {strides = array<i32>} : memref<1024xi32, #tpu.memory_space<vmem>>, vector<16xi32>,
    %add3A_1320 = arith.constant 1 : i32
    %add3A_1321 = vector.broadcast %add3A_1320 : i32 to vector<16xi32>
    %add3A_1322 = arith.addi %get3A_1319, %add3A_1321 : vector<16xi32>
    %convert_element_type3A_1323 = arith.sitofp %add3A_1322 : vector<16xi32> to vector<16xf32>
    %mul3A_1324 = arith.constant 2.000000e-01 : f32
    %mul3A_1325 = vector.broadcast %mul3A_1324 : f32 to vector<16xf32>
    %mul3A_1326 = arith.mulf %convert_element_type3A_1323, %mul3A_1325 : vector<16xf32>
    %add3A_1327 = arith.constant 5.000000e-01 : f32
    %add3A_1328 = vector.broadcast %add3A_1327 : f32 to vector<16xf32>
    %add3A_1329 = arith.addf %mul3A_1326, %add3A_1328 : vector<16xf32>
    %convert_element_type3A_1330 = arith.fptosi %add3A_1329 : vector<16xf32> to vector<16xi32>
    %mul3A_1331 = arith.constant 5 : i32
    %mul3A_1332 = vector.broadcast %mul3A_1331 : i32 to vector<16xi32>
    %mul3A_1333 = arith.muli %convert_element_type3A_1330, %mul3A_1332 : vector<16xi32>
    %eq3A_1334 = arith.cmpi eq, %mul3A_1333, %add3A_1322 : vector<16xi32>
    %convert_element_type3A_1335 = arith.extui %eq3A_1334 : vector<16xi1> to vector<16xi32>
    %convert_element_type3A_1336 = arith.sitofp %convert_element_type3A_1335 : vector<16xi32> to vector<16xf32>
    %sub3A_1337 = arith.constant 1.000000e+00 : f32
    %sub3A_1338 = vector.broadcast %sub3A_1337 : f32 to vector<16xf32>
    %sub3A_1339 = arith.subf %sub3A_1338, %convert_element_type3A_1336 : vector<16xf32>
    %swap3A_1340 = arith.constant 10 : i32
    %swap3A_1341 = arith.index_cast %swap3A_1340 : i32 to index
    %swap3A_1342 = arith.constant 64 : index
    %swap3A_1343 = tpu.vector_load %arg5[%swap3A_1341, %swap3A_1342] {strides = array<i32>} : memref<16x128xf32, #tpu.memory_space<vmem>>, vector<16xf32>,
    tpu.vector_store %arg5[%swap3A_1341, %swap3A_1342], %sub3A_1339 {strides = array<i32>} : memref<16x128xf32, #tpu.memory_space<vmem>>, vector<16xf32>,
    %swap3A_1344 = arith.constant 11 : i32
    %swap3A_1345 = arith.index_cast %swap3A_1344 : i32 to index
    %swap3A_1346 = arith.constant 64 : index
    %swap3A_1347 = tpu.vector_load %arg5[%swap3A_1345, %swap3A_1346] {strides = array<i32>} : memref<16x128xf32, #tpu.memory_space<vmem>>, vector<16xf32>,
    tpu.vector_store %arg5[%swap3A_1345, %swap3A_1346], %convert_element_type3A_1336 {strides = array<i32>} : memref<16x128xf32, #tpu.memory_space<vmem>>, vector<16xf32>,
    %get3A_1348 = arith.constant 720 : index
    %get3A_1349 = tpu.vector_load %arg4[%get3A_1348] {strides = array<i32>} : memref<1024xi32, #tpu.memory_space<vmem>>, vector<16xi32>,
    %add3A_1350 = arith.constant 1 : i32
    %add3A_1351 = vector.broadcast %add3A_1350 : i32 to vector<16xi32>
    %add3A_1352 = arith.addi %get3A_1349, %add3A_1351 : vector<16xi32>
    %convert_element_type3A_1353 = arith.sitofp %add3A_1352 : vector<16xi32> to vector<16xf32>
    %mul3A_1354 = arith.constant 2.000000e-01 : f32
    %mul3A_1355 = vector.broadcast %mul3A_1354 : f32 to vector<16xf32>
    %mul3A_1356 = arith.mulf %convert_element_type3A_1353, %mul3A_1355 : vector<16xf32>
    %add3A_1357 = arith.constant 5.000000e-01 : f32
    %add3A_1358 = vector.broadcast %add3A_1357 : f32 to vector<16xf32>
    %add3A_1359 = arith.addf %mul3A_1356, %add3A_1358 : vector<16xf32>
    %convert_element_type3A_1360 = arith.fptosi %add3A_1359 : vector<16xf32> to vector<16xi32>
    %mul3A_1361 = arith.constant 5 : i32
    %mul3A_1362 = vector.broadcast %mul3A_1361 : i32 to vector<16xi32>
    %mul3A_1363 = arith.muli %convert_element_type3A_1360, %mul3A_1362 : vector<16xi32>
    %eq3A_1364 = arith.cmpi eq, %mul3A_1363, %add3A_1352 : vector<16xi32>
    %convert_element_type3A_1365 = arith.extui %eq3A_1364 : vector<16xi1> to vector<16xi32>
    %convert_element_type3A_1366 = arith.sitofp %convert_element_type3A_1365 : vector<16xi32> to vector<16xf32>
    %sub3A_1367 = arith.constant 1.000000e+00 : f32
    %sub3A_1368 = vector.broadcast %sub3A_1367 : f32 to vector<16xf32>
    %sub3A_1369 = arith.subf %sub3A_1368, %convert_element_type3A_1366 : vector<16xf32>
    %swap3A_1370 = arith.constant 10 : i32
    %swap3A_1371 = arith.index_cast %swap3A_1370 : i32 to index
    %swap3A_1372 = arith.constant 80 : index
    %swap3A_1373 = tpu.vector_load %arg5[%swap3A_1371, %swap3A_1372] {strides = array<i32>} : memref<16x128xf32, #tpu.memory_space<vmem>>, vector<16xf32>,
    tpu.vector_store %arg5[%swap3A_1371, %swap3A_1372], %sub3A_1369 {strides = array<i32>} : memref<16x128xf32, #tpu.memory_space<vmem>>, vector<16xf32>,
    %swap3A_1374 = arith.constant 11 : i32
    %swap3A_1375 = arith.index_cast %swap3A_1374 : i32 to index
    %swap3A_1376 = arith.constant 80 : index
    %swap3A_1377 = tpu.vector_load %arg5[%swap3A_1375, %swap3A_1376] {strides = array<i32>} : memref<16x128xf32, #tpu.memory_space<vmem>>, vector<16xf32>,
    tpu.vector_store %arg5[%swap3A_1375, %swap3A_1376], %convert_element_type3A_1366 {strides = array<i32>} : memref<16x128xf32, #tpu.memory_space<vmem>>, vector<16xf32>,
    %get3A_1378 = arith.constant 736 : index
    %get3A_1379 = tpu.vector_load %arg4[%get3A_1378] {strides = array<i32>} : memref<1024xi32, #tpu.memory_space<vmem>>, vector<16xi32>,
    %add3A_1380 = arith.constant 1 : i32
    %add3A_1381 = vector.broadcast %add3A_1380 : i32 to vector<16xi32>
    %add3A_1382 = arith.addi %get3A_1379, %add3A_1381 : vector<16xi32>
    %convert_element_type3A_1383 = arith.sitofp %add3A_1382 : vector<16xi32> to vector<16xf32>
    %mul3A_1384 = arith.constant 2.000000e-01 : f32
    %mul3A_1385 = vector.broadcast %mul3A_1384 : f32 to vector<16xf32>
    %mul3A_1386 = arith.mulf %convert_element_type3A_1383, %mul3A_1385 : vector<16xf32>
    %add3A_1387 = arith.constant 5.000000e-01 : f32
    %add3A_1388 = vector.broadcast %add3A_1387 : f32 to vector<16xf32>
    %add3A_1389 = arith.addf %mul3A_1386, %add3A_1388 : vector<16xf32>
    %convert_element_type3A_1390 = arith.fptosi %add3A_1389 : vector<16xf32> to vector<16xi32>
    %mul3A_1391 = arith.constant 5 : i32
    %mul3A_1392 = vector.broadcast %mul3A_1391 : i32 to vector<16xi32>
    %mul3A_1393 = arith.muli %convert_element_type3A_1390, %mul3A_1392 : vector<16xi32>
    %eq3A_1394 = arith.cmpi eq, %mul3A_1393, %add3A_1382 : vector<16xi32>
    %convert_element_type3A_1395 = arith.extui %eq3A_1394 : vector<16xi1> to vector<16xi32>
    %convert_element_type3A_1396 = arith.sitofp %convert_element_type3A_1395 : vector<16xi32> to vector<16xf32>
    %sub3A_1397 = arith.constant 1.000000e+00 : f32
    %sub3A_1398 = vector.broadcast %sub3A_1397 : f32 to vector<16xf32>
    %sub3A_1399 = arith.subf %sub3A_1398, %convert_element_type3A_1396 : vector<16xf32>
    %swap3A_1400 = arith.constant 10 : i32
    %swap3A_1401 = arith.index_cast %swap3A_1400 : i32 to index
    %swap3A_1402 = arith.constant 96 : index
    %swap3A_1403 = tpu.vector_load %arg5[%swap3A_1401, %swap3A_1402] {strides = array<i32>} : memref<16x128xf32, #tpu.memory_space<vmem>>, vector<16xf32>,
    tpu.vector_store %arg5[%swap3A_1401, %swap3A_1402], %sub3A_1399 {strides = array<i32>} : memref<16x128xf32, #tpu.memory_space<vmem>>, vector<16xf32>,
    %swap3A_1404 = arith.constant 11 : i32
    %swap3A_1405 = arith.index_cast %swap3A_1404 : i32 to index
    %swap3A_1406 = arith.constant 96 : index
    %swap3A_1407 = tpu.vector_load %arg5[%swap3A_1405, %swap3A_1406] {strides = array<i32>} : memref<16x128xf32, #tpu.memory_space<vmem>>, vector<16xf32>,
    tpu.vector_store %arg5[%swap3A_1405, %swap3A_1406], %convert_element_type3A_1396 {strides = array<i32>} : memref<16x128xf32, #tpu.memory_space<vmem>>, vector<16xf32>,
    %get3A_1408 = arith.constant 752 : index
    %get3A_1409 = tpu.vector_load %arg4[%get3A_1408] {strides = array<i32>} : memref<1024xi32, #tpu.memory_space<vmem>>, vector<16xi32>,
    %add3A_1410 = arith.constant 1 : i32
    %add3A_1411 = vector.broadcast %add3A_1410 : i32 to vector<16xi32>
    %add3A_1412 = arith.addi %get3A_1409, %add3A_1411 : vector<16xi32>
    %convert_element_type3A_1413 = arith.sitofp %add3A_1412 : vector<16xi32> to vector<16xf32>
    %mul3A_1414 = arith.constant 2.000000e-01 : f32
    %mul3A_1415 = vector.broadcast %mul3A_1414 : f32 to vector<16xf32>
    %mul3A_1416 = arith.mulf %convert_element_type3A_1413, %mul3A_1415 : vector<16xf32>
    %add3A_1417 = arith.constant 5.000000e-01 : f32
    %add3A_1418 = vector.broadcast %add3A_1417 : f32 to vector<16xf32>
    %add3A_1419 = arith.addf %mul3A_1416, %add3A_1418 : vector<16xf32>
    %convert_element_type3A_1420 = arith.fptosi %add3A_1419 : vector<16xf32> to vector<16xi32>
    %mul3A_1421 = arith.constant 5 : i32
    %mul3A_1422 = vector.broadcast %mul3A_1421 : i32 to vector<16xi32>
    %mul3A_1423 = arith.muli %convert_element_type3A_1420, %mul3A_1422 : vector<16xi32>
    %eq3A_1424 = arith.cmpi eq, %mul3A_1423, %add3A_1412 : vector<16xi32>
    %convert_element_type3A_1425 = arith.extui %eq3A_1424 : vector<16xi1> to vector<16xi32>
    %convert_element_type3A_1426 = arith.sitofp %convert_element_type3A_1425 : vector<16xi32> to vector<16xf32>
    %sub3A_1427 = arith.constant 1.000000e+00 : f32
    %sub3A_1428 = vector.broadcast %sub3A_1427 : f32 to vector<16xf32>
    %sub3A_1429 = arith.subf %sub3A_1428, %convert_element_type3A_1426 : vector<16xf32>
    %swap3A_1430 = arith.constant 10 : i32
    %swap3A_1431 = arith.index_cast %swap3A_1430 : i32 to index
    %swap3A_1432 = arith.constant 112 : index
    %swap3A_1433 = tpu.vector_load %arg5[%swap3A_1431, %swap3A_1432] {strides = array<i32>} : memref<16x128xf32, #tpu.memory_space<vmem>>, vector<16xf32>,
    tpu.vector_store %arg5[%swap3A_1431, %swap3A_1432], %sub3A_1429 {strides = array<i32>} : memref<16x128xf32, #tpu.memory_space<vmem>>, vector<16xf32>,
    %swap3A_1434 = arith.constant 11 : i32
    %swap3A_1435 = arith.index_cast %swap3A_1434 : i32 to index
    %swap3A_1436 = arith.constant 112 : index
    %swap3A_1437 = tpu.vector_load %arg5[%swap3A_1435, %swap3A_1436] {strides = array<i32>} : memref<16x128xf32, #tpu.memory_space<vmem>>, vector<16xf32>,
    tpu.vector_store %arg5[%swap3A_1435, %swap3A_1436], %convert_element_type3A_1426 {strides = array<i32>} : memref<16x128xf32, #tpu.memory_space<vmem>>, vector<16xf32>,
    %get3A_1438 = arith.constant 768 : index
    %get3A_1439 = tpu.vector_load %arg4[%get3A_1438] {strides = array<i32>} : memref<1024xi32, #tpu.memory_space<vmem>>, vector<16xi32>,
    %add3A_1440 = arith.constant 1 : i32
    %add3A_1441 = vector.broadcast %add3A_1440 : i32 to vector<16xi32>
    %add3A_1442 = arith.addi %get3A_1439, %add3A_1441 : vector<16xi32>
    %convert_element_type3A_1443 = arith.sitofp %add3A_1442 : vector<16xi32> to vector<16xf32>
    %mul3A_1444 = arith.constant 2.000000e-01 : f32
    %mul3A_1445 = vector.broadcast %mul3A_1444 : f32 to vector<16xf32>
    %mul3A_1446 = arith.mulf %convert_element_type3A_1443, %mul3A_1445 : vector<16xf32>
    %add3A_1447 = arith.constant 5.000000e-01 : f32
    %add3A_1448 = vector.broadcast %add3A_1447 : f32 to vector<16xf32>
    %add3A_1449 = arith.addf %mul3A_1446, %add3A_1448 : vector<16xf32>
    %convert_element_type3A_1450 = arith.fptosi %add3A_1449 : vector<16xf32> to vector<16xi32>
    %mul3A_1451 = arith.constant 5 : i32
    %mul3A_1452 = vector.broadcast %mul3A_1451 : i32 to vector<16xi32>
    %mul3A_1453 = arith.muli %convert_element_type3A_1450, %mul3A_1452 : vector<16xi32>
    %eq3A_1454 = arith.cmpi eq, %mul3A_1453, %add3A_1442 : vector<16xi32>
    %convert_element_type3A_1455 = arith.extui %eq3A_1454 : vector<16xi1> to vector<16xi32>
    %convert_element_type3A_1456 = arith.sitofp %convert_element_type3A_1455 : vector<16xi32> to vector<16xf32>
    %sub3A_1457 = arith.constant 1.000000e+00 : f32
    %sub3A_1458 = vector.broadcast %sub3A_1457 : f32 to vector<16xf32>
    %sub3A_1459 = arith.subf %sub3A_1458, %convert_element_type3A_1456 : vector<16xf32>
    %swap3A_1460 = arith.constant 12 : i32
    %swap3A_1461 = arith.index_cast %swap3A_1460 : i32 to index
    %swap3A_1462 = arith.constant 0 : index
    %swap3A_1463 = tpu.vector_load %arg5[%swap3A_1461, %swap3A_1462] {strides = array<i32>} : memref<16x128xf32, #tpu.memory_space<vmem>>, vector<16xf32>,
    tpu.vector_store %arg5[%swap3A_1461, %swap3A_1462], %sub3A_1459 {strides = array<i32>} : memref<16x128xf32, #tpu.memory_space<vmem>>, vector<16xf32>,
    %swap3A_1464 = arith.constant 13 : i32
    %swap3A_1465 = arith.index_cast %swap3A_1464 : i32 to index
    %swap3A_1466 = arith.constant 0 : index
    %swap3A_1467 = tpu.vector_load %arg5[%swap3A_1465, %swap3A_1466] {strides = array<i32>} : memref<16x128xf32, #tpu.memory_space<vmem>>, vector<16xf32>,
    tpu.vector_store %arg5[%swap3A_1465, %swap3A_1466], %convert_element_type3A_1456 {strides = array<i32>} : memref<16x128xf32, #tpu.memory_space<vmem>>, vector<16xf32>,
    %get3A_1468 = arith.constant 784 : index
    %get3A_1469 = tpu.vector_load %arg4[%get3A_1468] {strides = array<i32>} : memref<1024xi32, #tpu.memory_space<vmem>>, vector<16xi32>,
    %add3A_1470 = arith.constant 1 : i32
    %add3A_1471 = vector.broadcast %add3A_1470 : i32 to vector<16xi32>
    %add3A_1472 = arith.addi %get3A_1469, %add3A_1471 : vector<16xi32>
    %convert_element_type3A_1473 = arith.sitofp %add3A_1472 : vector<16xi32> to vector<16xf32>
    %mul3A_1474 = arith.constant 2.000000e-01 : f32
    %mul3A_1475 = vector.broadcast %mul3A_1474 : f32 to vector<16xf32>
    %mul3A_1476 = arith.mulf %convert_element_type3A_1473, %mul3A_1475 : vector<16xf32>
    %add3A_1477 = arith.constant 5.000000e-01 : f32
    %add3A_1478 = vector.broadcast %add3A_1477 : f32 to vector<16xf32>
    %add3A_1479 = arith.addf %mul3A_1476, %add3A_1478 : vector<16xf32>
    %convert_element_type3A_1480 = arith.fptosi %add3A_1479 : vector<16xf32> to vector<16xi32>
    %mul3A_1481 = arith.constant 5 : i32
    %mul3A_1482 = vector.broadcast %mul3A_1481 : i32 to vector<16xi32>
    %mul3A_1483 = arith.muli %convert_element_type3A_1480, %mul3A_1482 : vector<16xi32>
    %eq3A_1484 = arith.cmpi eq, %mul3A_1483, %add3A_1472 : vector<16xi32>
    %convert_element_type3A_1485 = arith.extui %eq3A_1484 : vector<16xi1> to vector<16xi32>
    %convert_element_type3A_1486 = arith.sitofp %convert_element_type3A_1485 : vector<16xi32> to vector<16xf32>
    %sub3A_1487 = arith.constant 1.000000e+00 : f32
    %sub3A_1488 = vector.broadcast %sub3A_1487 : f32 to vector<16xf32>
    %sub3A_1489 = arith.subf %sub3A_1488, %convert_element_type3A_1486 : vector<16xf32>
    %swap3A_1490 = arith.constant 12 : i32
    %swap3A_1491 = arith.index_cast %swap3A_1490 : i32 to index
    %swap3A_1492 = arith.constant 16 : index
    %swap3A_1493 = tpu.vector_load %arg5[%swap3A_1491, %swap3A_1492] {strides = array<i32>} : memref<16x128xf32, #tpu.memory_space<vmem>>, vector<16xf32>,
    tpu.vector_store %arg5[%swap3A_1491, %swap3A_1492], %sub3A_1489 {strides = array<i32>} : memref<16x128xf32, #tpu.memory_space<vmem>>, vector<16xf32>,
    %swap3A_1494 = arith.constant 13 : i32
    %swap3A_1495 = arith.index_cast %swap3A_1494 : i32 to index
    %swap3A_1496 = arith.constant 16 : index
    %swap3A_1497 = tpu.vector_load %arg5[%swap3A_1495, %swap3A_1496] {strides = array<i32>} : memref<16x128xf32, #tpu.memory_space<vmem>>, vector<16xf32>,
    tpu.vector_store %arg5[%swap3A_1495, %swap3A_1496], %convert_element_type3A_1486 {strides = array<i32>} : memref<16x128xf32, #tpu.memory_space<vmem>>, vector<16xf32>,
    %get3A_1498 = arith.constant 800 : index
    %get3A_1499 = tpu.vector_load %arg4[%get3A_1498] {strides = array<i32>} : memref<1024xi32, #tpu.memory_space<vmem>>, vector<16xi32>,
    %add3A_1500 = arith.constant 1 : i32
    %add3A_1501 = vector.broadcast %add3A_1500 : i32 to vector<16xi32>
    %add3A_1502 = arith.addi %get3A_1499, %add3A_1501 : vector<16xi32>
    %convert_element_type3A_1503 = arith.sitofp %add3A_1502 : vector<16xi32> to vector<16xf32>
    %mul3A_1504 = arith.constant 2.000000e-01 : f32
    %mul3A_1505 = vector.broadcast %mul3A_1504 : f32 to vector<16xf32>
    %mul3A_1506 = arith.mulf %convert_element_type3A_1503, %mul3A_1505 : vector<16xf32>
    %add3A_1507 = arith.constant 5.000000e-01 : f32
    %add3A_1508 = vector.broadcast %add3A_1507 : f32 to vector<16xf32>
    %add3A_1509 = arith.addf %mul3A_1506, %add3A_1508 : vector<16xf32>
    %convert_element_type3A_1510 = arith.fptosi %add3A_1509 : vector<16xf32> to vector<16xi32>
    %mul3A_1511 = arith.constant 5 : i32
    %mul3A_1512 = vector.broadcast %mul3A_1511 : i32 to vector<16xi32>
    %mul3A_1513 = arith.muli %convert_element_type3A_1510, %mul3A_1512 : vector<16xi32>
    %eq3A_1514 = arith.cmpi eq, %mul3A_1513, %add3A_1502 : vector<16xi32>
    %convert_element_type3A_1515 = arith.extui %eq3A_1514 : vector<16xi1> to vector<16xi32>
    %convert_element_type3A_1516 = arith.sitofp %convert_element_type3A_1515 : vector<16xi32> to vector<16xf32>
    %sub3A_1517 = arith.constant 1.000000e+00 : f32
    %sub3A_1518 = vector.broadcast %sub3A_1517 : f32 to vector<16xf32>
    %sub3A_1519 = arith.subf %sub3A_1518, %convert_element_type3A_1516 : vector<16xf32>
    %swap3A_1520 = arith.constant 12 : i32
    %swap3A_1521 = arith.index_cast %swap3A_1520 : i32 to index
    %swap3A_1522 = arith.constant 32 : index
    %swap3A_1523 = tpu.vector_load %arg5[%swap3A_1521, %swap3A_1522] {strides = array<i32>} : memref<16x128xf32, #tpu.memory_space<vmem>>, vector<16xf32>,
    tpu.vector_store %arg5[%swap3A_1521, %swap3A_1522], %sub3A_1519 {strides = array<i32>} : memref<16x128xf32, #tpu.memory_space<vmem>>, vector<16xf32>,
    %swap3A_1524 = arith.constant 13 : i32
    %swap3A_1525 = arith.index_cast %swap3A_1524 : i32 to index
    %swap3A_1526 = arith.constant 32 : index
    %swap3A_1527 = tpu.vector_load %arg5[%swap3A_1525, %swap3A_1526] {strides = array<i32>} : memref<16x128xf32, #tpu.memory_space<vmem>>, vector<16xf32>,
    tpu.vector_store %arg5[%swap3A_1525, %swap3A_1526], %convert_element_type3A_1516 {strides = array<i32>} : memref<16x128xf32, #tpu.memory_space<vmem>>, vector<16xf32>,
    %get3A_1528 = arith.constant 816 : index
    %get3A_1529 = tpu.vector_load %arg4[%get3A_1528] {strides = array<i32>} : memref<1024xi32, #tpu.memory_space<vmem>>, vector<16xi32>,
    %add3A_1530 = arith.constant 1 : i32
    %add3A_1531 = vector.broadcast %add3A_1530 : i32 to vector<16xi32>
    %add3A_1532 = arith.addi %get3A_1529, %add3A_1531 : vector<16xi32>
    %convert_element_type3A_1533 = arith.sitofp %add3A_1532 : vector<16xi32> to vector<16xf32>
    %mul3A_1534 = arith.constant 2.000000e-01 : f32
    %mul3A_1535 = vector.broadcast %mul3A_1534 : f32 to vector<16xf32>
    %mul3A_1536 = arith.mulf %convert_element_type3A_1533, %mul3A_1535 : vector<16xf32>
    %add3A_1537 = arith.constant 5.000000e-01 : f32
    %add3A_1538 = vector.broadcast %add3A_1537 : f32 to vector<16xf32>
    %add3A_1539 = arith.addf %mul3A_1536, %add3A_1538 : vector<16xf32>
    %convert_element_type3A_1540 = arith.fptosi %add3A_1539 : vector<16xf32> to vector<16xi32>
    %mul3A_1541 = arith.constant 5 : i32
    %mul3A_1542 = vector.broadcast %mul3A_1541 : i32 to vector<16xi32>
    %mul3A_1543 = arith.muli %convert_element_type3A_1540, %mul3A_1542 : vector<16xi32>
    %eq3A_1544 = arith.cmpi eq, %mul3A_1543, %add3A_1532 : vector<16xi32>
    %convert_element_type3A_1545 = arith.extui %eq3A_1544 : vector<16xi1> to vector<16xi32>
    %convert_element_type3A_1546 = arith.sitofp %convert_element_type3A_1545 : vector<16xi32> to vector<16xf32>
    %sub3A_1547 = arith.constant 1.000000e+00 : f32
    %sub3A_1548 = vector.broadcast %sub3A_1547 : f32 to vector<16xf32>
    %sub3A_1549 = arith.subf %sub3A_1548, %convert_element_type3A_1546 : vector<16xf32>
    %swap3A_1550 = arith.constant 12 : i32
    %swap3A_1551 = arith.index_cast %swap3A_1550 : i32 to index
    %swap3A_1552 = arith.constant 48 : index
    %swap3A_1553 = tpu.vector_load %arg5[%swap3A_1551, %swap3A_1552] {strides = array<i32>} : memref<16x128xf32, #tpu.memory_space<vmem>>, vector<16xf32>,
    tpu.vector_store %arg5[%swap3A_1551, %swap3A_1552], %sub3A_1549 {strides = array<i32>} : memref<16x128xf32, #tpu.memory_space<vmem>>, vector<16xf32>,
    %swap3A_1554 = arith.constant 13 : i32
    %swap3A_1555 = arith.index_cast %swap3A_1554 : i32 to index
    %swap3A_1556 = arith.constant 48 : index
    %swap3A_1557 = tpu.vector_load %arg5[%swap3A_1555, %swap3A_1556] {strides = array<i32>} : memref<16x128xf32, #tpu.memory_space<vmem>>, vector<16xf32>,
    tpu.vector_store %arg5[%swap3A_1555, %swap3A_1556], %convert_element_type3A_1546 {strides = array<i32>} : memref<16x128xf32, #tpu.memory_space<vmem>>, vector<16xf32>,
    %get3A_1558 = arith.constant 832 : index
    %get3A_1559 = tpu.vector_load %arg4[%get3A_1558] {strides = array<i32>} : memref<1024xi32, #tpu.memory_space<vmem>>, vector<16xi32>,
    %add3A_1560 = arith.constant 1 : i32
    %add3A_1561 = vector.broadcast %add3A_1560 : i32 to vector<16xi32>
    %add3A_1562 = arith.addi %get3A_1559, %add3A_1561 : vector<16xi32>
    %convert_element_type3A_1563 = arith.sitofp %add3A_1562 : vector<16xi32> to vector<16xf32>
    %mul3A_1564 = arith.constant 2.000000e-01 : f32
    %mul3A_1565 = vector.broadcast %mul3A_1564 : f32 to vector<16xf32>
    %mul3A_1566 = arith.mulf %convert_element_type3A_1563, %mul3A_1565 : vector<16xf32>
    %add3A_1567 = arith.constant 5.000000e-01 : f32
    %add3A_1568 = vector.broadcast %add3A_1567 : f32 to vector<16xf32>
    %add3A_1569 = arith.addf %mul3A_1566, %add3A_1568 : vector<16xf32>
    %convert_element_type3A_1570 = arith.fptosi %add3A_1569 : vector<16xf32> to vector<16xi32>
    %mul3A_1571 = arith.constant 5 : i32
    %mul3A_1572 = vector.broadcast %mul3A_1571 : i32 to vector<16xi32>
    %mul3A_1573 = arith.muli %convert_element_type3A_1570, %mul3A_1572 : vector<16xi32>
    %eq3A_1574 = arith.cmpi eq, %mul3A_1573, %add3A_1562 : vector<16xi32>
    %convert_element_type3A_1575 = arith.extui %eq3A_1574 : vector<16xi1> to vector<16xi32>
    %convert_element_type3A_1576 = arith.sitofp %convert_element_type3A_1575 : vector<16xi32> to vector<16xf32>
    %sub3A_1577 = arith.constant 1.000000e+00 : f32
    %sub3A_1578 = vector.broadcast %sub3A_1577 : f32 to vector<16xf32>
    %sub3A_1579 = arith.subf %sub3A_1578, %convert_element_type3A_1576 : vector<16xf32>
    %swap3A_1580 = arith.constant 12 : i32
    %swap3A_1581 = arith.index_cast %swap3A_1580 : i32 to index
    %swap3A_1582 = arith.constant 64 : index
    %swap3A_1583 = tpu.vector_load %arg5[%swap3A_1581, %swap3A_1582] {strides = array<i32>} : memref<16x128xf32, #tpu.memory_space<vmem>>, vector<16xf32>,
    tpu.vector_store %arg5[%swap3A_1581, %swap3A_1582], %sub3A_1579 {strides = array<i32>} : memref<16x128xf32, #tpu.memory_space<vmem>>, vector<16xf32>,
    %swap3A_1584 = arith.constant 13 : i32
    %swap3A_1585 = arith.index_cast %swap3A_1584 : i32 to index
    %swap3A_1586 = arith.constant 64 : index
    %swap3A_1587 = tpu.vector_load %arg5[%swap3A_1585, %swap3A_1586] {strides = array<i32>} : memref<16x128xf32, #tpu.memory_space<vmem>>, vector<16xf32>,
    tpu.vector_store %arg5[%swap3A_1585, %swap3A_1586], %convert_element_type3A_1576 {strides = array<i32>} : memref<16x128xf32, #tpu.memory_space<vmem>>, vector<16xf32>,
    %get3A_1588 = arith.constant 848 : index
    %get3A_1589 = tpu.vector_load %arg4[%get3A_1588] {strides = array<i32>} : memref<1024xi32, #tpu.memory_space<vmem>>, vector<16xi32>,
    %add3A_1590 = arith.constant 1 : i32
    %add3A_1591 = vector.broadcast %add3A_1590 : i32 to vector<16xi32>
    %add3A_1592 = arith.addi %get3A_1589, %add3A_1591 : vector<16xi32>
    %convert_element_type3A_1593 = arith.sitofp %add3A_1592 : vector<16xi32> to vector<16xf32>
    %mul3A_1594 = arith.constant 2.000000e-01 : f32
    %mul3A_1595 = vector.broadcast %mul3A_1594 : f32 to vector<16xf32>
    %mul3A_1596 = arith.mulf %convert_element_type3A_1593, %mul3A_1595 : vector<16xf32>
    %add3A_1597 = arith.constant 5.000000e-01 : f32
    %add3A_1598 = vector.broadcast %add3A_1597 : f32 to vector<16xf32>
    %add3A_1599 = arith.addf %mul3A_1596, %add3A_1598 : vector<16xf32>
    %convert_element_type3A_1600 = arith.fptosi %add3A_1599 : vector<16xf32> to vector<16xi32>
    %mul3A_1601 = arith.constant 5 : i32
    %mul3A_1602 = vector.broadcast %mul3A_1601 : i32 to vector<16xi32>
    %mul3A_1603 = arith.muli %convert_element_type3A_1600, %mul3A_1602 : vector<16xi32>
    %eq3A_1604 = arith.cmpi eq, %mul3A_1603, %add3A_1592 : vector<16xi32>
    %convert_element_type3A_1605 = arith.extui %eq3A_1604 : vector<16xi1> to vector<16xi32>
    %convert_element_type3A_1606 = arith.sitofp %convert_element_type3A_1605 : vector<16xi32> to vector<16xf32>
    %sub3A_1607 = arith.constant 1.000000e+00 : f32
    %sub3A_1608 = vector.broadcast %sub3A_1607 : f32 to vector<16xf32>
    %sub3A_1609 = arith.subf %sub3A_1608, %convert_element_type3A_1606 : vector<16xf32>
    %swap3A_1610 = arith.constant 12 : i32
    %swap3A_1611 = arith.index_cast %swap3A_1610 : i32 to index
    %swap3A_1612 = arith.constant 80 : index
    %swap3A_1613 = tpu.vector_load %arg5[%swap3A_1611, %swap3A_1612] {strides = array<i32>} : memref<16x128xf32, #tpu.memory_space<vmem>>, vector<16xf32>,
    tpu.vector_store %arg5[%swap3A_1611, %swap3A_1612], %sub3A_1609 {strides = array<i32>} : memref<16x128xf32, #tpu.memory_space<vmem>>, vector<16xf32>,
    %swap3A_1614 = arith.constant 13 : i32
    %swap3A_1615 = arith.index_cast %swap3A_1614 : i32 to index
    %swap3A_1616 = arith.constant 80 : index
    %swap3A_1617 = tpu.vector_load %arg5[%swap3A_1615, %swap3A_1616] {strides = array<i32>} : memref<16x128xf32, #tpu.memory_space<vmem>>, vector<16xf32>,
    tpu.vector_store %arg5[%swap3A_1615, %swap3A_1616], %convert_element_type3A_1606 {strides = array<i32>} : memref<16x128xf32, #tpu.memory_space<vmem>>, vector<16xf32>,
    %get3A_1618 = arith.constant 864 : index
    %get3A_1619 = tpu.vector_load %arg4[%get3A_1618] {strides = array<i32>} : memref<1024xi32, #tpu.memory_space<vmem>>, vector<16xi32>,
    %add3A_1620 = arith.constant 1 : i32
    %add3A_1621 = vector.broadcast %add3A_1620 : i32 to vector<16xi32>
    %add3A_1622 = arith.addi %get3A_1619, %add3A_1621 : vector<16xi32>
    %convert_element_type3A_1623 = arith.sitofp %add3A_1622 : vector<16xi32> to vector<16xf32>
    %mul3A_1624 = arith.constant 2.000000e-01 : f32
    %mul3A_1625 = vector.broadcast %mul3A_1624 : f32 to vector<16xf32>
    %mul3A_1626 = arith.mulf %convert_element_type3A_1623, %mul3A_1625 : vector<16xf32>
    %add3A_1627 = arith.constant 5.000000e-01 : f32
    %add3A_1628 = vector.broadcast %add3A_1627 : f32 to vector<16xf32>
    %add3A_1629 = arith.addf %mul3A_1626, %add3A_1628 : vector<16xf32>
    %convert_element_type3A_1630 = arith.fptosi %add3A_1629 : vector<16xf32> to vector<16xi32>
    %mul3A_1631 = arith.constant 5 : i32
    %mul3A_1632 = vector.broadcast %mul3A_1631 : i32 to vector<16xi32>
    %mul3A_1633 = arith.muli %convert_element_type3A_1630, %mul3A_1632 : vector<16xi32>
    %eq3A_1634 = arith.cmpi eq, %mul3A_1633, %add3A_1622 : vector<16xi32>
    %convert_element_type3A_1635 = arith.extui %eq3A_1634 : vector<16xi1> to vector<16xi32>
    %convert_element_type3A_1636 = arith.sitofp %convert_element_type3A_1635 : vector<16xi32> to vector<16xf32>
    %sub3A_1637 = arith.constant 1.000000e+00 : f32
    %sub3A_1638 = vector.broadcast %sub3A_1637 : f32 to vector<16xf32>
    %sub3A_1639 = arith.subf %sub3A_1638, %convert_element_type3A_1636 : vector<16xf32>
    %swap3A_1640 = arith.constant 12 : i32
    %swap3A_1641 = arith.index_cast %swap3A_1640 : i32 to index
    %swap3A_1642 = arith.constant 96 : index
    %swap3A_1643 = tpu.vector_load %arg5[%swap3A_1641, %swap3A_1642] {strides = array<i32>} : memref<16x128xf32, #tpu.memory_space<vmem>>, vector<16xf32>,
    tpu.vector_store %arg5[%swap3A_1641, %swap3A_1642], %sub3A_1639 {strides = array<i32>} : memref<16x128xf32, #tpu.memory_space<vmem>>, vector<16xf32>,
    %swap3A_1644 = arith.constant 13 : i32
    %swap3A_1645 = arith.index_cast %swap3A_1644 : i32 to index
    %swap3A_1646 = arith.constant 96 : index
    %swap3A_1647 = tpu.vector_load %arg5[%swap3A_1645, %swap3A_1646] {strides = array<i32>} : memref<16x128xf32, #tpu.memory_space<vmem>>, vector<16xf32>,
    tpu.vector_store %arg5[%swap3A_1645, %swap3A_1646], %convert_element_type3A_1636 {strides = array<i32>} : memref<16x128xf32, #tpu.memory_space<vmem>>, vector<16xf32>,
    %get3A_1648 = arith.constant 880 : index
    %get3A_1649 = tpu.vector_load %arg4[%get3A_1648] {strides = array<i32>} : memref<1024xi32, #tpu.memory_space<vmem>>, vector<16xi32>,
    %add3A_1650 = arith.constant 1 : i32
    %add3A_1651 = vector.broadcast %add3A_1650 : i32 to vector<16xi32>
    %add3A_1652 = arith.addi %get3A_1649, %add3A_1651 : vector<16xi32>
    %convert_element_type3A_1653 = arith.sitofp %add3A_1652 : vector<16xi32> to vector<16xf32>
    %mul3A_1654 = arith.constant 2.000000e-01 : f32
    %mul3A_1655 = vector.broadcast %mul3A_1654 : f32 to vector<16xf32>
    %mul3A_1656 = arith.mulf %convert_element_type3A_1653, %mul3A_1655 : vector<16xf32>
    %add3A_1657 = arith.constant 5.000000e-01 : f32
    %add3A_1658 = vector.broadcast %add3A_1657 : f32 to vector<16xf32>
    %add3A_1659 = arith.addf %mul3A_1656, %add3A_1658 : vector<16xf32>
    %convert_element_type3A_1660 = arith.fptosi %add3A_1659 : vector<16xf32> to vector<16xi32>
    %mul3A_1661 = arith.constant 5 : i32
    %mul3A_1662 = vector.broadcast %mul3A_1661 : i32 to vector<16xi32>
    %mul3A_1663 = arith.muli %convert_element_type3A_1660, %mul3A_1662 : vector<16xi32>
    %eq3A_1664 = arith.cmpi eq, %mul3A_1663, %add3A_1652 : vector<16xi32>
    %convert_element_type3A_1665 = arith.extui %eq3A_1664 : vector<16xi1> to vector<16xi32>
    %convert_element_type3A_1666 = arith.sitofp %convert_element_type3A_1665 : vector<16xi32> to vector<16xf32>
    %sub3A_1667 = arith.constant 1.000000e+00 : f32
    %sub3A_1668 = vector.broadcast %sub3A_1667 : f32 to vector<16xf32>
    %sub3A_1669 = arith.subf %sub3A_1668, %convert_element_type3A_1666 : vector<16xf32>
    %swap3A_1670 = arith.constant 12 : i32
    %swap3A_1671 = arith.index_cast %swap3A_1670 : i32 to index
    %swap3A_1672 = arith.constant 112 : index
    %swap3A_1673 = tpu.vector_load %arg5[%swap3A_1671, %swap3A_1672] {strides = array<i32>} : memref<16x128xf32, #tpu.memory_space<vmem>>, vector<16xf32>,
    tpu.vector_store %arg5[%swap3A_1671, %swap3A_1672], %sub3A_1669 {strides = array<i32>} : memref<16x128xf32, #tpu.memory_space<vmem>>, vector<16xf32>,
    %swap3A_1674 = arith.constant 13 : i32
    %swap3A_1675 = arith.index_cast %swap3A_1674 : i32 to index
    %swap3A_1676 = arith.constant 112 : index
    %swap3A_1677 = tpu.vector_load %arg5[%swap3A_1675, %swap3A_1676] {strides = array<i32>} : memref<16x128xf32, #tpu.memory_space<vmem>>, vector<16xf32>,
    tpu.vector_store %arg5[%swap3A_1675, %swap3A_1676], %convert_element_type3A_1666 {strides = array<i32>} : memref<16x128xf32, #tpu.memory_space<vmem>>, vector<16xf32>,
    %get3A_1678 = arith.constant 896 : index
    %get3A_1679 = tpu.vector_load %arg4[%get3A_1678] {strides = array<i32>} : memref<1024xi32, #tpu.memory_space<vmem>>, vector<16xi32>,
    %add3A_1680 = arith.constant 1 : i32
    %add3A_1681 = vector.broadcast %add3A_1680 : i32 to vector<16xi32>
    %add3A_1682 = arith.addi %get3A_1679, %add3A_1681 : vector<16xi32>
    %convert_element_type3A_1683 = arith.sitofp %add3A_1682 : vector<16xi32> to vector<16xf32>
    %mul3A_1684 = arith.constant 2.000000e-01 : f32
    %mul3A_1685 = vector.broadcast %mul3A_1684 : f32 to vector<16xf32>
    %mul3A_1686 = arith.mulf %convert_element_type3A_1683, %mul3A_1685 : vector<16xf32>
    %add3A_1687 = arith.constant 5.000000e-01 : f32
    %add3A_1688 = vector.broadcast %add3A_1687 : f32 to vector<16xf32>
    %add3A_1689 = arith.addf %mul3A_1686, %add3A_1688 : vector<16xf32>
    %convert_element_type3A_1690 = arith.fptosi %add3A_1689 : vector<16xf32> to vector<16xi32>
    %mul3A_1691 = arith.constant 5 : i32
    %mul3A_1692 = vector.broadcast %mul3A_1691 : i32 to vector<16xi32>
    %mul3A_1693 = arith.muli %convert_element_type3A_1690, %mul3A_1692 : vector<16xi32>
    %eq3A_1694 = arith.cmpi eq, %mul3A_1693, %add3A_1682 : vector<16xi32>
    %convert_element_type3A_1695 = arith.extui %eq3A_1694 : vector<16xi1> to vector<16xi32>
    %convert_element_type3A_1696 = arith.sitofp %convert_element_type3A_1695 : vector<16xi32> to vector<16xf32>
    %sub3A_1697 = arith.constant 1.000000e+00 : f32
    %sub3A_1698 = vector.broadcast %sub3A_1697 : f32 to vector<16xf32>
    %sub3A_1699 = arith.subf %sub3A_1698, %convert_element_type3A_1696 : vector<16xf32>
    %swap3A_1700 = arith.constant 14 : i32
    %swap3A_1701 = arith.index_cast %swap3A_1700 : i32 to index
    %swap3A_1702 = arith.constant 0 : index
    %swap3A_1703 = tpu.vector_load %arg5[%swap3A_1701, %swap3A_1702] {strides = array<i32>} : memref<16x128xf32, #tpu.memory_space<vmem>>, vector<16xf32>,
    tpu.vector_store %arg5[%swap3A_1701, %swap3A_1702], %sub3A_1699 {strides = array<i32>} : memref<16x128xf32, #tpu.memory_space<vmem>>, vector<16xf32>,
    %swap3A_1704 = arith.constant 15 : i32
    %swap3A_1705 = arith.index_cast %swap3A_1704 : i32 to index
    %swap3A_1706 = arith.constant 0 : index
    %swap3A_1707 = tpu.vector_load %arg5[%swap3A_1705, %swap3A_1706] {strides = array<i32>} : memref<16x128xf32, #tpu.memory_space<vmem>>, vector<16xf32>,
    tpu.vector_store %arg5[%swap3A_1705, %swap3A_1706], %convert_element_type3A_1696 {strides = array<i32>} : memref<16x128xf32, #tpu.memory_space<vmem>>, vector<16xf32>,
    %get3A_1708 = arith.constant 912 : index
    %get3A_1709 = tpu.vector_load %arg4[%get3A_1708] {strides = array<i32>} : memref<1024xi32, #tpu.memory_space<vmem>>, vector<16xi32>,
    %add3A_1710 = arith.constant 1 : i32
    %add3A_1711 = vector.broadcast %add3A_1710 : i32 to vector<16xi32>
    %add3A_1712 = arith.addi %get3A_1709, %add3A_1711 : vector<16xi32>
    %convert_element_type3A_1713 = arith.sitofp %add3A_1712 : vector<16xi32> to vector<16xf32>
    %mul3A_1714 = arith.constant 2.000000e-01 : f32
    %mul3A_1715 = vector.broadcast %mul3A_1714 : f32 to vector<16xf32>
    %mul3A_1716 = arith.mulf %convert_element_type3A_1713, %mul3A_1715 : vector<16xf32>
    %add3A_1717 = arith.constant 5.000000e-01 : f32
    %add3A_1718 = vector.broadcast %add3A_1717 : f32 to vector<16xf32>
    %add3A_1719 = arith.addf %mul3A_1716, %add3A_1718 : vector<16xf32>
    %convert_element_type3A_1720 = arith.fptosi %add3A_1719 : vector<16xf32> to vector<16xi32>
    %mul3A_1721 = arith.constant 5 : i32
    %mul3A_1722 = vector.broadcast %mul3A_1721 : i32 to vector<16xi32>
    %mul3A_1723 = arith.muli %convert_element_type3A_1720, %mul3A_1722 : vector<16xi32>
    %eq3A_1724 = arith.cmpi eq, %mul3A_1723, %add3A_1712 : vector<16xi32>
    %convert_element_type3A_1725 = arith.extui %eq3A_1724 : vector<16xi1> to vector<16xi32>
    %convert_element_type3A_1726 = arith.sitofp %convert_element_type3A_1725 : vector<16xi32> to vector<16xf32>
    %sub3A_1727 = arith.constant 1.000000e+00 : f32
    %sub3A_1728 = vector.broadcast %sub3A_1727 : f32 to vector<16xf32>
    %sub3A_1729 = arith.subf %sub3A_1728, %convert_element_type3A_1726 : vector<16xf32>
    %swap3A_1730 = arith.constant 14 : i32
    %swap3A_1731 = arith.index_cast %swap3A_1730 : i32 to index
    %swap3A_1732 = arith.constant 16 : index
    %swap3A_1733 = tpu.vector_load %arg5[%swap3A_1731, %swap3A_1732] {strides = array<i32>} : memref<16x128xf32, #tpu.memory_space<vmem>>, vector<16xf32>,
    tpu.vector_store %arg5[%swap3A_1731, %swap3A_1732], %sub3A_1729 {strides = array<i32>} : memref<16x128xf32, #tpu.memory_space<vmem>>, vector<16xf32>,
    %swap3A_1734 = arith.constant 15 : i32
    %swap3A_1735 = arith.index_cast %swap3A_1734 : i32 to index
    %swap3A_1736 = arith.constant 16 : index
    %swap3A_1737 = tpu.vector_load %arg5[%swap3A_1735, %swap3A_1736] {strides = array<i32>} : memref<16x128xf32, #tpu.memory_space<vmem>>, vector<16xf32>,
    tpu.vector_store %arg5[%swap3A_1735, %swap3A_1736], %convert_element_type3A_1726 {strides = array<i32>} : memref<16x128xf32, #tpu.memory_space<vmem>>, vector<16xf32>,
    %get3A_1738 = arith.constant 928 : index
    %get3A_1739 = tpu.vector_load %arg4[%get3A_1738] {strides = array<i32>} : memref<1024xi32, #tpu.memory_space<vmem>>, vector<16xi32>,
    %add3A_1740 = arith.constant 1 : i32
    %add3A_1741 = vector.broadcast %add3A_1740 : i32 to vector<16xi32>
    %add3A_1742 = arith.addi %get3A_1739, %add3A_1741 : vector<16xi32>
    %convert_element_type3A_1743 = arith.sitofp %add3A_1742 : vector<16xi32> to vector<16xf32>
    %mul3A_1744 = arith.constant 2.000000e-01 : f32
    %mul3A_1745 = vector.broadcast %mul3A_1744 : f32 to vector<16xf32>
    %mul3A_1746 = arith.mulf %convert_element_type3A_1743, %mul3A_1745 : vector<16xf32>
    %add3A_1747 = arith.constant 5.000000e-01 : f32
    %add3A_1748 = vector.broadcast %add3A_1747 : f32 to vector<16xf32>
    %add3A_1749 = arith.addf %mul3A_1746, %add3A_1748 : vector<16xf32>
    %convert_element_type3A_1750 = arith.fptosi %add3A_1749 : vector<16xf32> to vector<16xi32>
    %mul3A_1751 = arith.constant 5 : i32
    %mul3A_1752 = vector.broadcast %mul3A_1751 : i32 to vector<16xi32>
    %mul3A_1753 = arith.muli %convert_element_type3A_1750, %mul3A_1752 : vector<16xi32>
    %eq3A_1754 = arith.cmpi eq, %mul3A_1753, %add3A_1742 : vector<16xi32>
    %convert_element_type3A_1755 = arith.extui %eq3A_1754 : vector<16xi1> to vector<16xi32>
    %convert_element_type3A_1756 = arith.sitofp %convert_element_type3A_1755 : vector<16xi32> to vector<16xf32>
    %sub3A_1757 = arith.constant 1.000000e+00 : f32
    %sub3A_1758 = vector.broadcast %sub3A_1757 : f32 to vector<16xf32>
    %sub3A_1759 = arith.subf %sub3A_1758, %convert_element_type3A_1756 : vector<16xf32>
    %swap3A_1760 = arith.constant 14 : i32
    %swap3A_1761 = arith.index_cast %swap3A_1760 : i32 to index
    %swap3A_1762 = arith.constant 32 : index
    %swap3A_1763 = tpu.vector_load %arg5[%swap3A_1761, %swap3A_1762] {strides = array<i32>} : memref<16x128xf32, #tpu.memory_space<vmem>>, vector<16xf32>,
    tpu.vector_store %arg5[%swap3A_1761, %swap3A_1762], %sub3A_1759 {strides = array<i32>} : memref<16x128xf32, #tpu.memory_space<vmem>>, vector<16xf32>,
    %swap3A_1764 = arith.constant 15 : i32
    %swap3A_1765 = arith.index_cast %swap3A_1764 : i32 to index
    %swap3A_1766 = arith.constant 32 : index
    %swap3A_1767 = tpu.vector_load %arg5[%swap3A_1765, %swap3A_1766] {strides = array<i32>} : memref<16x128xf32, #tpu.memory_space<vmem>>, vector<16xf32>,
    tpu.vector_store %arg5[%swap3A_1765, %swap3A_1766], %convert_element_type3A_1756 {strides = array<i32>} : memref<16x128xf32, #tpu.memory_space<vmem>>, vector<16xf32>,
    %get3A_1768 = arith.constant 944 : index
    %get3A_1769 = tpu.vector_load %arg4[%get3A_1768] {strides = array<i32>} : memref<1024xi32, #tpu.memory_space<vmem>>, vector<16xi32>,
    %add3A_1770 = arith.constant 1 : i32
    %add3A_1771 = vector.broadcast %add3A_1770 : i32 to vector<16xi32>
    %add3A_1772 = arith.addi %get3A_1769, %add3A_1771 : vector<16xi32>
    %convert_element_type3A_1773 = arith.sitofp %add3A_1772 : vector<16xi32> to vector<16xf32>
    %mul3A_1774 = arith.constant 2.000000e-01 : f32
    %mul3A_1775 = vector.broadcast %mul3A_1774 : f32 to vector<16xf32>
    %mul3A_1776 = arith.mulf %convert_element_type3A_1773, %mul3A_1775 : vector<16xf32>
    %add3A_1777 = arith.constant 5.000000e-01 : f32
    %add3A_1778 = vector.broadcast %add3A_1777 : f32 to vector<16xf32>
    %add3A_1779 = arith.addf %mul3A_1776, %add3A_1778 : vector<16xf32>
    %convert_element_type3A_1780 = arith.fptosi %add3A_1779 : vector<16xf32> to vector<16xi32>
    %mul3A_1781 = arith.constant 5 : i32
    %mul3A_1782 = vector.broadcast %mul3A_1781 : i32 to vector<16xi32>
    %mul3A_1783 = arith.muli %convert_element_type3A_1780, %mul3A_1782 : vector<16xi32>
    %eq3A_1784 = arith.cmpi eq, %mul3A_1783, %add3A_1772 : vector<16xi32>
    %convert_element_type3A_1785 = arith.extui %eq3A_1784 : vector<16xi1> to vector<16xi32>
    %convert_element_type3A_1786 = arith.sitofp %convert_element_type3A_1785 : vector<16xi32> to vector<16xf32>
    %sub3A_1787 = arith.constant 1.000000e+00 : f32
    %sub3A_1788 = vector.broadcast %sub3A_1787 : f32 to vector<16xf32>
    %sub3A_1789 = arith.subf %sub3A_1788, %convert_element_type3A_1786 : vector<16xf32>
    %swap3A_1790 = arith.constant 14 : i32
    %swap3A_1791 = arith.index_cast %swap3A_1790 : i32 to index
    %swap3A_1792 = arith.constant 48 : index
    %swap3A_1793 = tpu.vector_load %arg5[%swap3A_1791, %swap3A_1792] {strides = array<i32>} : memref<16x128xf32, #tpu.memory_space<vmem>>, vector<16xf32>,
    tpu.vector_store %arg5[%swap3A_1791, %swap3A_1792], %sub3A_1789 {strides = array<i32>} : memref<16x128xf32, #tpu.memory_space<vmem>>, vector<16xf32>,
    %swap3A_1794 = arith.constant 15 : i32
    %swap3A_1795 = arith.index_cast %swap3A_1794 : i32 to index
    %swap3A_1796 = arith.constant 48 : index
    %swap3A_1797 = tpu.vector_load %arg5[%swap3A_1795, %swap3A_1796] {strides = array<i32>} : memref<16x128xf32, #tpu.memory_space<vmem>>, vector<16xf32>,
    tpu.vector_store %arg5[%swap3A_1795, %swap3A_1796], %convert_element_type3A_1786 {strides = array<i32>} : memref<16x128xf32, #tpu.memory_space<vmem>>, vector<16xf32>,
    %get3A_1798 = arith.constant 960 : index
    %get3A_1799 = tpu.vector_load %arg4[%get3A_1798] {strides = array<i32>} : memref<1024xi32, #tpu.memory_space<vmem>>, vector<16xi32>,
    %add3A_1800 = arith.constant 1 : i32
    %add3A_1801 = vector.broadcast %add3A_1800 : i32 to vector<16xi32>
    %add3A_1802 = arith.addi %get3A_1799, %add3A_1801 : vector<16xi32>
    %convert_element_type3A_1803 = arith.sitofp %add3A_1802 : vector<16xi32> to vector<16xf32>
    %mul3A_1804 = arith.constant 2.000000e-01 : f32
    %mul3A_1805 = vector.broadcast %mul3A_1804 : f32 to vector<16xf32>
    %mul3A_1806 = arith.mulf %convert_element_type3A_1803, %mul3A_1805 : vector<16xf32>
    %add3A_1807 = arith.constant 5.000000e-01 : f32
    %add3A_1808 = vector.broadcast %add3A_1807 : f32 to vector<16xf32>
    %add3A_1809 = arith.addf %mul3A_1806, %add3A_1808 : vector<16xf32>
    %convert_element_type3A_1810 = arith.fptosi %add3A_1809 : vector<16xf32> to vector<16xi32>
    %mul3A_1811 = arith.constant 5 : i32
    %mul3A_1812 = vector.broadcast %mul3A_1811 : i32 to vector<16xi32>
    %mul3A_1813 = arith.muli %convert_element_type3A_1810, %mul3A_1812 : vector<16xi32>
    %eq3A_1814 = arith.cmpi eq, %mul3A_1813, %add3A_1802 : vector<16xi32>
    %convert_element_type3A_1815 = arith.extui %eq3A_1814 : vector<16xi1> to vector<16xi32>
    %convert_element_type3A_1816 = arith.sitofp %convert_element_type3A_1815 : vector<16xi32> to vector<16xf32>
    %sub3A_1817 = arith.constant 1.000000e+00 : f32
    %sub3A_1818 = vector.broadcast %sub3A_1817 : f32 to vector<16xf32>
    %sub3A_1819 = arith.subf %sub3A_1818, %convert_element_type3A_1816 : vector<16xf32>
    %swap3A_1820 = arith.constant 14 : i32
    %swap3A_1821 = arith.index_cast %swap3A_1820 : i32 to index
    %swap3A_1822 = arith.constant 64 : index
    %swap3A_1823 = tpu.vector_load %arg5[%swap3A_1821, %swap3A_1822] {strides = array<i32>} : memref<16x128xf32, #tpu.memory_space<vmem>>, vector<16xf32>,
    tpu.vector_store %arg5[%swap3A_1821, %swap3A_1822], %sub3A_1819 {strides = array<i32>} : memref<16x128xf32, #tpu.memory_space<vmem>>, vector<16xf32>,
    %swap3A_1824 = arith.constant 15 : i32
    %swap3A_1825 = arith.index_cast %swap3A_1824 : i32 to index
    %swap3A_1826 = arith.constant 64 : index
    %swap3A_1827 = tpu.vector_load %arg5[%swap3A_1825, %swap3A_1826] {strides = array<i32>} : memref<16x128xf32, #tpu.memory_space<vmem>>, vector<16xf32>,
    tpu.vector_store %arg5[%swap3A_1825, %swap3A_1826], %convert_element_type3A_1816 {strides = array<i32>} : memref<16x128xf32, #tpu.memory_space<vmem>>, vector<16xf32>,
    %get3A_1828 = arith.constant 976 : index
    %get3A_1829 = tpu.vector_load %arg4[%get3A_1828] {strides = array<i32>} : memref<1024xi32, #tpu.memory_space<vmem>>, vector<16xi32>,
    %add3A_1830 = arith.constant 1 : i32
    %add3A_1831 = vector.broadcast %add3A_1830 : i32 to vector<16xi32>
    %add3A_1832 = arith.addi %get3A_1829, %add3A_1831 : vector<16xi32>
    %convert_element_type3A_1833 = arith.sitofp %add3A_1832 : vector<16xi32> to vector<16xf32>
    %mul3A_1834 = arith.constant 2.000000e-01 : f32
    %mul3A_1835 = vector.broadcast %mul3A_1834 : f32 to vector<16xf32>
    %mul3A_1836 = arith.mulf %convert_element_type3A_1833, %mul3A_1835 : vector<16xf32>
    %add3A_1837 = arith.constant 5.000000e-01 : f32
    %add3A_1838 = vector.broadcast %add3A_1837 : f32 to vector<16xf32>
    %add3A_1839 = arith.addf %mul3A_1836, %add3A_1838 : vector<16xf32>
    %convert_element_type3A_1840 = arith.fptosi %add3A_1839 : vector<16xf32> to vector<16xi32>
    %mul3A_1841 = arith.constant 5 : i32
    %mul3A_1842 = vector.broadcast %mul3A_1841 : i32 to vector<16xi32>
    %mul3A_1843 = arith.muli %convert_element_type3A_1840, %mul3A_1842 : vector<16xi32>
    %eq3A_1844 = arith.cmpi eq, %mul3A_1843, %add3A_1832 : vector<16xi32>
    %convert_element_type3A_1845 = arith.extui %eq3A_1844 : vector<16xi1> to vector<16xi32>
    %convert_element_type3A_1846 = arith.sitofp %convert_element_type3A_1845 : vector<16xi32> to vector<16xf32>
    %sub3A_1847 = arith.constant 1.000000e+00 : f32
    %sub3A_1848 = vector.broadcast %sub3A_1847 : f32 to vector<16xf32>
    %sub3A_1849 = arith.subf %sub3A_1848, %convert_element_type3A_1846 : vector<16xf32>
    %swap3A_1850 = arith.constant 14 : i32
    %swap3A_1851 = arith.index_cast %swap3A_1850 : i32 to index
    %swap3A_1852 = arith.constant 80 : index
    %swap3A_1853 = tpu.vector_load %arg5[%swap3A_1851, %swap3A_1852] {strides = array<i32>} : memref<16x128xf32, #tpu.memory_space<vmem>>, vector<16xf32>,
    tpu.vector_store %arg5[%swap3A_1851, %swap3A_1852], %sub3A_1849 {strides = array<i32>} : memref<16x128xf32, #tpu.memory_space<vmem>>, vector<16xf32>,
    %swap3A_1854 = arith.constant 15 : i32
    %swap3A_1855 = arith.index_cast %swap3A_1854 : i32 to index
    %swap3A_1856 = arith.constant 80 : index
    %swap3A_1857 = tpu.vector_load %arg5[%swap3A_1855, %swap3A_1856] {strides = array<i32>} : memref<16x128xf32, #tpu.memory_space<vmem>>, vector<16xf32>,
    tpu.vector_store %arg5[%swap3A_1855, %swap3A_1856], %convert_element_type3A_1846 {strides = array<i32>} : memref<16x128xf32, #tpu.memory_space<vmem>>, vector<16xf32>,
    %get3A_1858 = arith.constant 992 : index
    %get3A_1859 = tpu.vector_load %arg4[%get3A_1858] {strides = array<i32>} : memref<1024xi32, #tpu.memory_space<vmem>>, vector<16xi32>,
    %add3A_1860 = arith.constant 1 : i32
    %add3A_1861 = vector.broadcast %add3A_1860 : i32 to vector<16xi32>
    %add3A_1862 = arith.addi %get3A_1859, %add3A_1861 : vector<16xi32>
    %convert_element_type3A_1863 = arith.sitofp %add3A_1862 : vector<16xi32> to vector<16xf32>
    %mul3A_1864 = arith.constant 2.000000e-01 : f32
    %mul3A_1865 = vector.broadcast %mul3A_1864 : f32 to vector<16xf32>
    %mul3A_1866 = arith.mulf %convert_element_type3A_1863, %mul3A_1865 : vector<16xf32>
    %add3A_1867 = arith.constant 5.000000e-01 : f32
    %add3A_1868 = vector.broadcast %add3A_1867 : f32 to vector<16xf32>
    %add3A_1869 = arith.addf %mul3A_1866, %add3A_1868 : vector<16xf32>
    %convert_element_type3A_1870 = arith.fptosi %add3A_1869 : vector<16xf32> to vector<16xi32>
    %mul3A_1871 = arith.constant 5 : i32
    %mul3A_1872 = vector.broadcast %mul3A_1871 : i32 to vector<16xi32>
    %mul3A_1873 = arith.muli %convert_element_type3A_1870, %mul3A_1872 : vector<16xi32>
    %eq3A_1874 = arith.cmpi eq, %mul3A_1873, %add3A_1862 : vector<16xi32>
    %convert_element_type3A_1875 = arith.extui %eq3A_1874 : vector<16xi1> to vector<16xi32>
    %convert_element_type3A_1876 = arith.sitofp %convert_element_type3A_1875 : vector<16xi32> to vector<16xf32>
    %sub3A_1877 = arith.constant 1.000000e+00 : f32
    %sub3A_1878 = vector.broadcast %sub3A_1877 : f32 to vector<16xf32>
    %sub3A_1879 = arith.subf %sub3A_1878, %convert_element_type3A_1876 : vector<16xf32>
    %swap3A_1880 = arith.constant 14 : i32
    %swap3A_1881 = arith.index_cast %swap3A_1880 : i32 to index
    %swap3A_1882 = arith.constant 96 : index
    %swap3A_1883 = tpu.vector_load %arg5[%swap3A_1881, %swap3A_1882] {strides = array<i32>} : memref<16x128xf32, #tpu.memory_space<vmem>>, vector<16xf32>,
    tpu.vector_store %arg5[%swap3A_1881, %swap3A_1882], %sub3A_1879 {strides = array<i32>} : memref<16x128xf32, #tpu.memory_space<vmem>>, vector<16xf32>,
    %swap3A_1884 = arith.constant 15 : i32
    %swap3A_1885 = arith.index_cast %swap3A_1884 : i32 to index
    %swap3A_1886 = arith.constant 96 : index
    %swap3A_1887 = tpu.vector_load %arg5[%swap3A_1885, %swap3A_1886] {strides = array<i32>} : memref<16x128xf32, #tpu.memory_space<vmem>>, vector<16xf32>,
    tpu.vector_store %arg5[%swap3A_1885, %swap3A_1886], %convert_element_type3A_1876 {strides = array<i32>} : memref<16x128xf32, #tpu.memory_space<vmem>>, vector<16xf32>,
    %get3A_1888 = arith.constant 1008 : index
    %get3A_1889 = tpu.vector_load %arg4[%get3A_1888] {strides = array<i32>} : memref<1024xi32, #tpu.memory_space<vmem>>, vector<16xi32>,
    %add3A_1890 = arith.constant 1 : i32
    %add3A_1891 = vector.broadcast %add3A_1890 : i32 to vector<16xi32>
    %add3A_1892 = arith.addi %get3A_1889, %add3A_1891 : vector<16xi32>
    %convert_element_type3A_1893 = arith.sitofp %add3A_1892 : vector<16xi32> to vector<16xf32>
    %mul3A_1894 = arith.constant 2.000000e-01 : f32
    %mul3A_1895 = vector.broadcast %mul3A_1894 : f32 to vector<16xf32>
    %mul3A_1896 = arith.mulf %convert_element_type3A_1893, %mul3A_1895 : vector<16xf32>
    %add3A_1897 = arith.constant 5.000000e-01 : f32
    %add3A_1898 = vector.broadcast %add3A_1897 : f32 to vector<16xf32>
    %add3A_1899 = arith.addf %mul3A_1896, %add3A_1898 : vector<16xf32>
    %convert_element_type3A_1900 = arith.fptosi %add3A_1899 : vector<16xf32> to vector<16xi32>
    %mul3A_1901 = arith.constant 5 : i32
    %mul3A_1902 = vector.broadcast %mul3A_1901 : i32 to vector<16xi32>
    %mul3A_1903 = arith.muli %convert_element_type3A_1900, %mul3A_1902 : vector<16xi32>
    %eq3A_1904 = arith.cmpi eq, %mul3A_1903, %add3A_1892 : vector<16xi32>
    %convert_element_type3A_1905 = arith.extui %eq3A_1904 : vector<16xi1> to vector<16xi32>
    %convert_element_type3A_1906 = arith.sitofp %convert_element_type3A_1905 : vector<16xi32> to vector<16xf32>
    %sub3A_1907 = arith.constant 1.000000e+00 : f32
    %sub3A_1908 = vector.broadcast %sub3A_1907 : f32 to vector<16xf32>
    %sub3A_1909 = arith.subf %sub3A_1908, %convert_element_type3A_1906 : vector<16xf32>
    %swap3A_1910 = arith.constant 14 : i32
    %swap3A_1911 = arith.index_cast %swap3A_1910 : i32 to index
    %swap3A_1912 = arith.constant 112 : index
    %swap3A_1913 = tpu.vector_load %arg5[%swap3A_1911, %swap3A_1912] {strides = array<i32>} : memref<16x128xf32, #tpu.memory_space<vmem>>, vector<16xf32>,
    tpu.vector_store %arg5[%swap3A_1911, %swap3A_1912], %sub3A_1909 {strides = array<i32>} : memref<16x128xf32, #tpu.memory_space<vmem>>, vector<16xf32>,
    %swap3A_1914 = arith.constant 15 : i32
    %swap3A_1915 = arith.index_cast %swap3A_1914 : i32 to index
    %swap3A_1916 = arith.constant 112 : index
    %swap3A_1917 = tpu.vector_load %arg5[%swap3A_1915, %swap3A_1916] {strides = array<i32>} : memref<16x128xf32, #tpu.memory_space<vmem>>, vector<16xf32>,
    tpu.vector_store %arg5[%swap3A_1915, %swap3A_1916], %convert_element_type3A_1906 {strides = array<i32>} : memref<16x128xf32, #tpu.memory_space<vmem>>, vector<16xf32>,
    %mul3A_1918 = arith.constant 2 : i32
    %mul3A_1919 = arith.muli %add3A, %mul3A_1918 : i32
    %mul3A_1920 = arith.constant 8 : i32
    %mul3A_1921 = arith.muli %mul3A_1919, %mul3A_1920 : i32
    "tpu.region"() ({
      %run_scoped3A = tpu.sem_alloc : memref<!tpu.dma_semaphore, #tpu.memory_space<semaphore_mem>>
      %dma_start3A = arith.constant 0 : i32
      %dma_start3A_1922 = tpu.memref_slice %arg3[%mul3A_1921, %dma_start3A] : memref<256x128xf32, #tpu.memory_space<hbm>> -> memref<16x128xf32, #tpu.memory_space<hbm>>
      %dma_start3A_1923 = arith.constant 0 : i32
      %dma_start3A_1924 = tpu.memref_slice %arg3[%mul3A_1921, %dma_start3A_1923] : memref<256x128xf32, #tpu.memory_space<hbm>> -> memref<16x128xf32, #tpu.memory_space<hbm>>
      tpu.enqueue_dma source(%arg5 : memref<16x128xf32, #tpu.memory_space<vmem>>) target(%dma_start3A_1924 : memref<16x128xf32, #tpu.memory_space<hbm>>) target_semaphore(%run_scoped3A : memref<!tpu.dma_semaphore, #tpu.memory_space<semaphore_mem>>)
      %dma_wait3A = arith.constant 0 : i32
      %dma_wait3A_1925 = tpu.memref_slice %arg3[%mul3A_1921, %dma_wait3A] : memref<256x128xf32, #tpu.memory_space<hbm>> -> memref<16x128xf32, #tpu.memory_space<hbm>>
      %dma_wait3A_1926 = arith.constant 0 : i32
      %dma_wait3A_1927 = tpu.memref_slice %arg3[%mul3A_1921, %dma_wait3A_1926] : memref<256x128xf32, #tpu.memory_space<hbm>> -> memref<16x128xf32, #tpu.memory_space<hbm>>
      tpu.wait_dma2 semaphore(%run_scoped3A : memref<!tpu.dma_semaphore, #tpu.memory_space<semaphore_mem>>) src(%arg5 : memref<16x128xf32, #tpu.memory_space<vmem>>) dst(%dma_wait3A_1927 : memref<16x128xf32, #tpu.memory_space<hbm>>)
      tpu.yield
    }) : () -> ()
    return
  }
}

</mosaic_0001>

<sc_bundles>
// kernel: kernel.3.cloned.1.call-start
scs
__scs_entry_jumppad:
0x0: {  	(pc) =	sbr.rel $0x88, $3  }
0x1: {  	(tag) =	ssettag $0x0;
	lr =	simm.s32 $0x1  }
0x2: {  	[smem:$0x3FA0] =	sst lr;
	_ =	strace $0xD0000000  }
0x3: {  	_ = 	snop  }
0x4: {  	_ = 	snop  }
0x5: {  	_ = 	snop  }
0x6: {  	_ = 	snop  }
0x7: {  	_ = 	snop  }
__scs_overlays_trampoline_lowered:
0x8: {  	[smem:$0x3FAF] =	sst s0  }
0x9: {  	[smem:$0x3FB0] =	sst s1  }
0xa: {  	[smem:$0x3FB1] =	sst s2  }
0xb: {  	[smem:$0x3FB2] =	sst s3  }
0xc: {  	[smem:$0x3FB3] =	sst s4  }
0xd: {  	[smem:$0x3FB4] =	sst s5  }
0xe: {  	[smem:$0x3FB5] =	sst s6  }
0xf: {  	[smem:$0x3FB6] =	sst s7  }
0x10: {  	[smem:$0x3FB7] =	sst s8  }
0x11: {  	[smem:$0x3FB8] =	sst s9;
	s0 =	simm.s32 @!p0 $0x0  }
0x12: {  	s1 =	sld [smem:$0x3F9E];
	s0 =	simm.s32 @p0 $0x1  }
0x13: {  	[smem:$0x3FB9] =	sst s0;
	s0 =	simm.s32 @!p1 $0x0  }
0x14: {  	s2 =	sld [smem:$0x3F9D];
	s0 =	simm.s32 @p1 $0x1  }
0x15: {  	[smem:$0x3FBA] =	sst s0;
	s0 =	simm.s32 @!p2 $0x0  }
0x16: {  	s3 =	sld [smem:$0x3FDB];
	s0 =	simm.s32 @p2 $0x1  }
0x17: {  	s4 =	simm.s32 $0x1BF5;
	[smem:$0x3FBC] =	sst s0  }
0x18: {  	s0 =	sld [smem:$0x3F9F];
	_ =	swait.ge [sflag:s4], $0x0  }
0x19: {  	s7 =	sld [smem:$0x3FA0]  }
0x1a: {  	s8 =	sadd.s32 $0xFFFFE003, lr  }
0x1b: {  	s9 =	sadd.s32 $0xFFFFFEF7, lr;
	s5 =	simm.s32 $0xFFFFFFFF;
	p2 =	slt.u32 s8, $0xFFFFF086  }
0x1c: {  	p1 =	slt.u32 s9, $0xF7A;
	s5 =	simm.s32 @!p2 $0x0  }
0x1d: {  	s5 =	simm.s32 @p1 $0x1;
	p0 =	seq.s32 s7, s2  }
0x1e: {  	s7 =	smul.u32 @!p0 $0xF7A, s2;
	p2 =	seq.s32 @!p0 s5, $0x0  }
0x1f: {  	s9 =	smul.u32 $0xF7A, s1;
	s8 =	simm.s32 @!p0 $0x1BF5;
	p2 =	por !p2, p0  }
0x20: {  	[sflag:s8] =	ssyncset.s32 @!p0 $0xFFFFF086;
	s6 =	sadd.s32 @!p0 s3, s7;
	s7 =	simm.s32 @!p0 $0x108  }
0x21: {  	s3 =	sadd.s32 s3, s9;
	s6 =	sadd.s32 @!p0 $0x88, s6;
	s7 =	simm.s32 @p2 $0x1082  }
0x22: {  	[simem:s7], [sflag:s8] =	dma.local @!p0 [hbm:s6], $0xF7A  }
0x23: {  	s9 =	sor.u32 $0xD0000000, s2;
	s6 =	simm.s32 $0x108;
	_ =	swait.ge @!p0 [sflag:s8], $0x0  }
0x24: {  	s3 =	sadd.s32 $0x88, s3;
	s6 =	simm.s32 @!p1 $0x1082;
	[sflag:s4] =	ssyncset.s32 $0xFFFFF086  }
0x25: {  	[simem:s6], [sflag:s4] =	dma.local [hbm:s3], $0xF7A  }
0x26: {  	[smem:$0x3FA0] =	sst s1;
	(tag) =	ssettag s2;
	_ =	strace s9  }
0x27: {  	s1 =	sld [smem:$0x3FB0]  }
0x28: {  	s2 =	sld [smem:$0x3FB1]  }
0x29: {  	s4 =	sld [smem:$0x3FB3]  }
0x2a: {  	p0 =	seq.s32 s5, $0x0;
	s5 =	sld [smem:$0x3FB4]  }
0x2b: {  	s6 =	sld [smem:$0x3FB5]  }
0x2c: {  	s7 =	sld [smem:$0x3FB6]  }
0x2d: {  	s3 =	simm.s32 $0x108;
	s8 =	sld [smem:$0x3FB7]  }
0x2e: {  	s3 =	simm.s32 @!p0 $0x1082;
	s9 =	sld [smem:$0x3FB8]  }
0x2f: {  	lr =	sadd.s32 s0, s3;
	s0 =	sld [smem:$0x3FAF]  }
0x30: {  	s3 =	sld [smem:$0x3FB2]  }
0x31: {  	[smem:$0x3FBB] =	sst s10  }
0x32: {  	s10 =	sld [smem:$0x3FB9];
	_ =	sdelay $0x3  }
0x33: {  	p0 =	seq.s32 s10, $0x1;
	s10 =	sld [smem:$0x3FBB];
	_ =	sdelay $0x3  }
0x34: {  	[smem:$0x3FBB] =	sst s10  }
0x35: {  	s10 =	sld [smem:$0x3FBA];
	_ =	sdelay $0x3  }
0x36: {  	p1 =	seq.s32 s10, $0x1;
	s10 =	sld [smem:$0x3FBB];
	_ =	sdelay $0x3  }
0x37: {  	[smem:$0x3FBB] =	sst s10  }
0x38: {  	s10 =	sld [smem:$0x3FBC]  }
0x39: {  	_ = 	snop;
	(pc) =	sbr.ind lr, $3  }
0x3a: {  	_ = 	snop  }
0x3b: {  	_ = 	snop  }
0x3c: {  	p2 =	seq.s32 s10, $0x1;
	s10 =	sld [smem:$0x3FBB]  }
0x3d: {  	_ =	shalt  }
0x3e: {  	_ =	shalt  }
0x3f: {  	_ =	shalt  }
0x40: {  	_ =	shalt  }
0x41: {  	_ =	shalt  }
0x42: {  	_ =	shalt  }
0x43: {  	_ =	shalt  }
0x44: {  	_ =	shalt  }
0x45: {  	_ =	shalt  }
0x46: {  	_ =	shalt  }
0x47: {  	_ =	shalt  }
0x48: {  	_ =	shalt  }
0x49: {  	_ =	shalt  }
0x4a: {  	_ =	shalt  }
0x4b: {  	_ =	shalt  }
0x4c: {  	_ =	shalt  }
0x4d: {  	_ =	shalt  }
0x4e: {  	_ =	shalt  }
0x4f: {  	_ =	shalt  }
0x50: {  	_ =	shalt  }
0x51: {  	_ =	shalt  }
0x52: {  	_ =	shalt  }
0x53: {  	_ =	shalt  }
0x54: {  	_ =	shalt  }
0x55: {  	_ =	shalt  }
0x56: {  	_ =	shalt  }
0x57: {  	_ =	shalt  }
0x58: {  	_ =	shalt  }
0x59: {  	_ =	shalt  }
0x5a: {  	_ =	shalt  }
0x5b: {  	_ =	shalt  }
0x5c: {  	_ =	shalt  }
0x5d: {  	_ =	shalt  }
0x5e: {  	_ =	shalt  }
0x5f: {  	_ =	shalt  }
0x60: {  	_ =	shalt  }
0x61: {  	_ =	shalt  }
0x62: {  	_ =	shalt  }
0x63: {  	_ =	shalt  }
0x64: {  	_ =	shalt  }
0x65: {  	_ =	shalt  }
0x66: {  	_ =	shalt  }
0x67: {  	_ =	shalt  }
0x68: {  	_ =	shalt  }
0x69: {  	_ =	shalt  }
0x6a: {  	_ =	shalt  }
0x6b: {  	_ =	shalt  }
0x6c: {  	_ =	shalt  }
0x6d: {  	_ =	shalt  }
0x6e: {  	_ =	shalt  }
0x6f: {  	_ =	shalt  }
0x70: {  	_ =	shalt  }
0x71: {  	_ =	shalt  }
0x72: {  	_ =	shalt  }
0x73: {  	_ =	shalt  }
0x74: {  	_ =	shalt  }
0x75: {  	_ =	shalt  }
0x76: {  	_ =	shalt  }
0x77: {  	_ =	shalt  }
0x78: {  	_ =	shalt  }
0x79: {  	_ =	shalt  }
0x7a: {  	_ =	shalt  }
0x7b: {  	_ =	shalt  }
0x7c: {  	_ =	shalt  }
0x7d: {  	_ =	shalt  }
0x7e: {  	_ =	shalt  }
0x7f: {  	_ =	shalt  }
0x80: {  	_ =	shalt  }
0x81: {  	_ =	shalt  }
0x82: {  	_ =	shalt  }
0x83: {  	_ =	shalt  }
0x84: {  	_ =	shalt  }
0x85: {  	_ =	shalt  }
0x86: {  	_ =	shalt  }
0x87: {  	_ =	shalt  }
.Lfunc_end0:
.L_simem_size_0:
called_computation_lowered:
.L_overlay_start_0:
0x88: {  	s0 =	sld [smem:$0x3FD9]  }
0x89: {  	s1 =	sld [smem:$0x3FFE];
	_ =	sdelay $0x3  }
0x8a: {  	s0 =	sadd.s32 s1, s0  }
0x8b: {  	[smem:$0x3FC7] =	sst s0  }
0x8c: {  	_ = 	snop  }
0x8d: {  	s0 =	sld [smem:$0x3FC9]  }
0x8e: {  	s17 =	sld [smem:$0x3FD0];
	(tm) =	ssettm $0x1  }
0x8f: {  	s2 =	sld [smem:$0x3FFB];
	_ =	sdelay $0x3  }
0x90: {  	_ =	strace s2  }
0x91: {  	s2 =	sld [smem:$0x3FFC];
	_ =	sdelay $0x3  }
0x92: {  	_ =	strace s2  }
0x93: {  	s2 =	sld [smem:$0x3FFD];
	_ =	sdelay $0x3  }
0x94: {  	_ =	strace s2  }
0x95: {  	_ =	strace $0x8FFFFFFF  }
0x96: {  	s18 =	sld [smem:$0x3FDB];
	_ =	sdelay $0x1  }
0x97: {  	s3 =	simm.s32 $_scs_section_size  }
0x98: {  	s4 =	simm.s32 $_size__tile_overlayer_lowered;
	s5 =	simm.s32 $_tile_overlayer_lowered  }
0x99: {  	s21 =	simm.s32 $0x1BFF;
	s20 =	sshll.u32 s5, $0x1;
	s2 =	sadd.s32 s3, s18  }
0x9a: {  	s6 =	simm.s32 $0x0;
	s19 =	sshll.u32 s4, $0x1;
	s4 =	sadd.s32 s20, s2  }
0x9b: {  	[timem:s6], [sflag:s21] =	dma.local [hbm:s4], s19  }
0x9c: {  	_ =	swait.ge [sflag:s21], s19  }
0x9d: {  	s3 =	ssub.s32 $0x0, s19;
	[sflag:s21] =	ssyncset.done $0x0  }
0x9e: {  	[sflag:s21] =	ssyncadd.s32 s3;
	_ =	sdelay $0x1  }
0x9f: {  	s22 =	simm.s32 $0x1B8B  }
0xa0: {  	_ =	swait.ge [sflag:s22], $0x1  }
0xa1: {  	[sflag:s22] =	ssyncset.done $0x0  }
0xa2: {  	s23 =	simm.s32 $0x1B8E;
	[sflag:s22] =	ssyncadd.s32 $0xFFFFFFFF  }
0xa3: {  	s24 =	simm.s32 $execute0_lowered;
	[smem:$0x3FD2] =	sst s23  }
0xa4: {  	s3 =	sshll.u32 s24, $0x1;
	_ =	strace $0x80000046;
	[dreg:$0x1] =	wrdreg $0xFFFFFFFF  }
0xa5: {  	s25 =	simm.s32 $_size_execute0_lowered;
	s2 =	sadd.s32 s2, s3;
	[dreg:$0x0] =	wrdreg $0x0  }
0xa6: {  	s3 =	sshll.u32 s25, $0x1;
	[dreg:$0x2] =	wrdreg s2  }
0xa7: {  	[dreg:$0x3] =	wrdreg s3  }
0xa8: {  	[dreg:$0x4] =	wrdreg $0xC0  }
0xa9: {  	_ =	task [dreg:s6], $0x5FFFF  }
0xaa: {  	[dreg:$0x1] =	wrdreg $0xFFFFFFFF  }
0xab: {  	[dreg:$0x0] =	wrdreg $0x60  }
0xac: {  	[dreg:$0x2] =	wrdreg s0  }
0xad: {  	[dreg:$0x3] =	wrdreg s17  }
0xae: {  	[dreg:$0x4] =	wrdreg $0x9  }
0xaf: {  	_ =	task.clear_ibuf [dreg:s6], $0x5FFFF;
	_ =	strace $0x90000046  }
0xb0: {  	s26 =	simm.s32 $0x9;
	_ =	strace $0x80000048  }
0xb1: {  	_ =	swait.ge [sflag:s26], $0x1  }
0xb2: {  	[sflag:s26] =	ssyncadd.s32 $0xFFFFFFFF  }
0xb3: {  	_ =	strace $0x90000048  }
0xb4: {  	_ =	sfence  }
0xb5: {  	s28 =	sld [smem:$0x0];
	_ =	sdelay $0x1  }
0xb6: {  	s29 =	srdreg.scid  }
0xb7: {  	s30 =	sshll.u32 s29, $0xD;
	s31 =	sshrl.u32 s29, $0x2  }
0xb8: {  	s1 =	sand.u32 $0x1, s29;
	s2 =	sand.u32 $0x4000, s30;
	s0 =	sadd.s32 s31, s28  }
0xb9: {  	s1 =	sor.u32 s2, s1;
	s0 =	sshll.u32 s0, $0x11  }
0xba: {  	s0 =	sor.u32 s0, s1  }
0xbb: {  	s0 =	sadd.s32 $0x8F2B, s0  }
0xbc: {  	[sflag:s0] =	ssyncadd.remote.s32 $0x1  }
0xbd: {  	_ =	sfence.sel $0xFFFF  }
0xbe: {  	[dreg:$0x0] =	wrdreg $0xFFFFFFFF;
	(pc) =	sbr.abs _section_cstart, $3  }
0xbf: {  	[dreg:$0x1] =	wrdreg $0xFFFFFFFF  }
0xc0: {  	_ =	task.clear_ibuf [dreg:s6], $0x2FFFF;
	_ =	strace $0x9FFFFFFF  }
0xc1: {  	(tm) =	ssettm $0x7FFFFFFF  }
tec
execute0_lowered:
.L_overlay_start_1:
0x0: {  	(tag) =	ssettag $0x1  }
0x1: {  	s4 =	rddreg [dreg:$0x0]  }
0x2: {  	s3 =	rddreg [dreg:$0x1]  }
0x3: {  	s0 =	rddreg [dreg:$0x2];
	s2 =	simm.s32 $0x0;
	s1 =	stileid.u32  }
0x4: {  	[smem:$0x7FF] =	sst s2;
	s5 =	sshll.u32 s1, $0x7  }
0x5: {  	s29 =	simm.s32 $0x1;
	_ =	strace $0x80000047;
	s4 =	sadd.s32 s4, s5  }
0x6: {  	[tilespmem:s2], [sflag:$0x1] =	stream.linear.gather [hbm4b:s4+s2], $0x400, $0x38;
	[tilespmem:$0xC00] =	vst v63  }
0x7: {  	_ =	swait.ge [sflag:s29], $0x400  }
0x8: {  	[sflag:s29] =	ssyncset.done $0x0  }
0x9: {  	[sflag:s29] =	ssyncadd.s32 $0xFFFFFC00  }
0xa: {  	v0 =	vld [tilespmem:$0x0]  }
0xb: {  	v1 =	vld [tilespmem:$0x10]  }
0xc: {  	v3 =	vld [tilespmem:$0x20]  }
0xd: {  	v5 =	vld [tilespmem:$0x30]  }
0xe: {  	v7 =	vld [tilespmem:$0x40]  }
0xf: {  	v8 =	vld [tilespmem:$0x50]  }
0x10: {  	v11 =	vld [tilespmem:$0x60]  }
0x11: {  	v14 =	vld [tilespmem:$0x70]  }
0x12: {  	v16 =	vld [tilespmem:$0x80]  }
0x13: {  	v17 =	vld [tilespmem:$0x90]  }
0x14: {  	v61 =	vld [tilespmem:$0xA0];
	v0 =	vadd.s32 $0x1, v0  }
0x15: {  	v20 =	vld [tilespmem:$0xB0];
	v4 =	vadd.s32 $0x1, v1;
	v3 =	vadd.s32 $0x1, v3;
	v9 =	vadd.s32 $0x1, v5  }
0x16: {  	v35 =	vld [tilespmem:$0xC0];
	v7 =	vadd.s32 $0x1, v7;
	v13 =	vadd.s32 $0x1, v8;
	v11 =	vadd.s32 $0x1, v11  }
0x17: {  	v36 =	vld [tilespmem:$0xD0];
	v14 =	vadd.s32 $0x1, v14;
	v60 =	vadd.s32 $0x1, v16;
	v2 =	vcvt.s32.f32 v0  }
0x18: {  	v45 =	vld [tilespmem:$0xF0];
	v63 =	vadd.s32 $0x1, v17;
	v52 =	vcvt.s32.f32 v4;
	v6 =	vcvt.s32.f32 v3  }
0x19: {  	v16 =	vadd.s32 $0x1, v61;
	v54 =	vcvt.s32.f32 v9;
	v10 =	vcvt.s32.f32 v7  }
0x1a: {  	v20 =	vadd.s32 $0x1, v20;
	v8 =	vcvt.s32.f32 v13;
	v15 =	vcvt.s32.f32 v11  }
0x1b: {  	v40 =	vadd.s32 $0x1, v35;
	v58 =	vcvt.s32.f32 v14;
	v18 =	vcvt.s32.f32 v60  }
0x1c: {  	v22 =	vadd.s32 $0x1, v36;
	v30 =	vcvt.s32.f32 v63;
	v19 =	vcvt.s32.f32 v16  }
0x1d: {  	v26 =	vadd.s32 $0x1, v45;
	v39 =	vcvt.s32.f32 v20;
	v21 =	vcvt.s32.f32 v40  }
0x1e: {  	v41 =	vld [tilespmem:$0xE0];
	v24 =	vcvt.s32.f32 v22;
	v50 =	vcvt.s32.f32 v26  }
0x1f: {  	v2 =	vmul.f32 $2.000000030e-01, v2;
	v6 =	vmul.f32 $2.000000030e-01, v6  }
0x20: {  	v10 =	vmul.f32 $2.000000030e-01, v10;
	v56 =	vmul.f32 $2.000000030e-01, v8  }
0x21: {  	v57 =	vmul.f32 $2.000000030e-01, v15;
	v59 =	vmul.f32 $2.000000030e-01, v58  }
0x22: {  	v62 =	vmul.f32 $2.000000030e-01, v18;
	v34 =	vmul.f32 $2.000000030e-01, v19  }
0x23: {  	v27 =	vld [tilespmem:$0x120];
	v15 =	vmul.f32 $2.000000030e-01, v39;
	v43 =	vmul.f32 $2.000000030e-01, v21;
	v19 =	vadd.s32 $0x1, v41  }
0x24: {  	v44 =	vmul.f32 $2.000000030e-01, v24;
	v47 =	vcvt.s32.f32 v19;
	v51 =	vadd.f32 $5.000000000e-01, v2  }
0x25: {  	v2 =	vmul.f32 $2.000000030e-01, v52;
	v53 =	vadd.f32 $5.000000000e-01, v6;
	v10 =	vadd.f32 $5.000000000e-01, v10  }
0x26: {  	v48 =	vld [tilespmem:$0x100];
	v6 =	vmul.f32 $2.000000030e-01, v54;
	v18 =	vadd.f32 $5.000000000e-01, v34;
	v42 =	vadd.f32 $5.000000000e-01, v15  }
0x27: {  	v15 =	vadd.f32 $5.000000000e-01, v43;
	v1 =	vtrunc.f32 v51;
	v5 =	vtrunc.f32 v53  }
0x28: {  	v61 =	vadd.s32 $0x1, v27;
	v10 =	vtrunc.f32 v10;
	v38 =	vtrunc.f32 v18  }
0x29: {  	v2 =	vadd.f32 $5.000000000e-01, v2;
	v15 =	vtrunc.f32 v15;
	v1 =	vcvt.f32.s32 v1  }
0x2a: {  	v6 =	vadd.f32 $5.000000000e-01, v6;
	v55 =	vcvt.f32.s32 v5;
	v10 =	vcvt.f32.s32 v10  }
0x2b: {  	v24 =	vadd.s32 $0x1, v48;
	v25 =	vcvt.f32.s32 v15;
	v2 =	vtrunc.f32 v2  }
0x2c: {  	v6 =	vtrunc.f32 v6;
	v1 =	vmul.u32 $0x5, v1;
	v2 =	vcvt.f32.s32 v2  }
0x2d: {  	v12 =	vmul.u32 $0x5, v55;
	v6 =	vcvt.f32.s32 v6;
	v10 =	vmul.u32 $0x5, v10  }
0x2e: {  	v52 =	vmul.u32 $0x5, v25;
	v55 =	vmul.f32 $2.000000030e-01, v50;
	vm0 =	veq.s32 v1, v0  }
0x2f: {  	v0 =	vimm.s32 $0x0;
	v2 =	vmul.u32 $0x5, v2;
	vm14 =	veq.s32 v12, v3  }
0x30: {  	v34 =	vld [tilespmem:$0x140];
	v6 =	vmul.u32 $0x5, v6;
	v12 =	vadd.f32 $5.000000000e-01, v56;
	vm4 =	veq.s32 v10, v7  }
0x31: {  	v10 =	vadd.f32 $5.000000000e-01, v59;
	vm12 =	veq.s32 v52, v40;
	v1 =	vsel vm0, $0x3F800000, v0  }
0x32: {  	v3 =	vsel vm14, $0x3F800000, v0;
	v7 =	vsel vm4, $0x3F800000, v0;
	vm13 =	veq.s32 v2, v4  }
0x33: {  	v5 =	vsub.f32 $1.000000000e+00, v1;
	v8 =	vsub.f32 $1.000000000e+00, v3;
	vm15 =	veq.s32 v6, v9  }
0x34: {  	v12 =	vtrunc.f32 v12;
	v9 =	vadd.f32 $5.000000000e-01, v57;
	v29 =	vtrunc.f32 v10  }
0x35: {  	v10 =	vmul.f32 $2.000000030e-01, v30;
	v57 =	vcvt.s32.f32 v24;
	v30 =	vadd.s32 $0x1, v34  }
0x36: {  	v2 =	vsel vm13, $0x3F800000, v0;
	v6 =	vsel vm15, $0x3F800000, v0;
	v12 =	vcvt.f32.s32 v12  }
0x37: {  	v31 =	vcvt.f32.s32 v29;
	v4 =	vsub.f32 $1.000000000e+00, v2;
	v9 =	vtrunc.f32 v9  }
0x38: {  	v43 =	vld [tilespmem:$0x160];
	v10 =	vadd.f32 $5.000000000e-01, v10;
	v29 =	vsub.f32 $1.000000000e+00, v6;
	v12 =	vmul.u32 $0x5, v12  }
0x39: {  	v59 =	vmul.f32 $2.000000030e-01, v57;
	v9 =	vcvt.f32.s32 v9;
	v32 =	vmul.u32 $0x5, v31  }
0x3a: {  	v31 =	vcvt.s32.f32 v30;
	v37 =	vtrunc.f32 v10;
	vm5 =	veq.s32 v12, v13  }
0x3b: {  	v28 =	vmul.u32 $0x5, v9;
	v12 =	vadd.f32 $5.000000000e-01, v62;
	vm7 =	veq.s32 v32, v14  }
0x3c: {  	v51 =	vld [tilespmem:$0x110];
	v17 =	vcvt.f32.s32 v37;
	v13 =	vtrunc.f32 v42;
	v32 =	vsub.f32 $1.000000000e+00, v7  }
0x3d: {  	v62 =	vld [tilespmem:$0x130];
	v42 =	vmul.f32 $2.000000030e-01, v31;
	v31 =	vadd.s32 $0x1, v43;
	v9 =	vsel vm5, $0x3F800000, v0  }
0x3e: {  	v43 =	vld [tilespmem:$0x1E0];
	v10 =	vsel vm7, $0x3F800000, v0;
	v46 =	vcvt.f32.s32 v13;
	vm6 =	veq.s32 v28, v11  }
0x3f: {  	v33 =	vtrunc.f32 v12;
	v17 =	vmul.u32 $0x5, v17;
	v28 =	vcvt.s32.f32 v61  }
0x40: {  	v12 =	vcvt.f32.s32 v33;
	v11 =	vsel vm6, $0x3F800000, v0;
	v21 =	vmul.u32 $0x5, v46  }
0x41: {  	v39 =	vld [tilespmem:$0x150];
	vm9 =	veq.s32 v17, v63;
	v17 =	vadd.f32 $5.000000000e-01, v55;
	v63 =	vadd.f32 $5.000000000e-01, v59  }
0x42: {  	v28 =	vmul.f32 $2.000000030e-01, v28;
	v12 =	vmul.u32 $0x5, v12;
	vm11 =	veq.s32 v21, v20  }
0x43: {  	v21 =	vadd.s32 $0x1, v51;
	v25 =	vadd.s32 $0x1, v62;
	v43 =	vadd.s32 $0x1, v43  }
0x44: {  	v17 =	vtrunc.f32 v17;
	v27 =	vtrunc.f32 v63;
	v36 =	vadd.f32 $5.000000000e-01, v28  }
0x45: {  	vm8 =	veq.s32 v12, v60;
	v12 =	vcvt.f32.s32 v38;
	v60 =	vcvt.s32.f32 v21  }
0x46: {  	v28 =	vadd.s32 $0x1, v39;
	v17 =	vcvt.f32.s32 v17;
	v27 =	vcvt.f32.s32 v27  }
0x47: {  	v15 =	vsel vm11, $0x3F800000, v0;
	v38 =	vcvt.s32.f32 v25;
	v34 =	vcvt.s32.f32 v28  }
0x48: {  	v39 =	vld [tilespmem:$0x1C0];
	v14 =	vsel vm8, $0x3F800000, v0;
	v23 =	vmul.u32 $0x5, v12;
	v12 =	vsel vm9, $0x3F800000, v0  }
0x49: {  	v33 =	vmul.f32 $2.000000030e-01, v60;
	v35 =	vmul.u32 $0x5, v17;
	v37 =	vmul.u32 $0x5, v27  }
0x4a: {  	v27 =	vmul.f32 $2.000000030e-01, v38;
	v46 =	vmul.f32 $2.000000030e-01, v34;
	vm10 =	veq.s32 v23, v16  }
0x4b: {  	v16 =	vadd.f32 $5.000000000e-01, v44;
	v23 =	vmul.f32 $2.000000030e-01, v47;
	vm15 =	veq.s32 v35, v26  }
0x4c: {  	v38 =	vld [tilespmem:$0x1B0];
	vm4 =	veq.s32 v37, v24;
	v41 =	vadd.f32 $5.000000000e-01, v27;
	v27 =	vadd.f32 $5.000000000e-01, v42  }
0x4d: {  	v34 =	vadd.f32 $5.000000000e-01, v46;
	v35 =	vcvt.s32.f32 v31;
	v39 =	vadd.s32 $0x1, v39  }
0x4e: {  	v47 =	vld [tilespmem:$0x180];
	v42 =	vsub.f32 $1.000000000e+00, v10;
	v13 =	vsel vm10, $0x3F800000, v0;
	v16 =	vtrunc.f32 v16  }
0x4f: {  	v20 =	vsel vm15, $0x3F800000, v0;
	v26 =	vtrunc.f32 v41;
	v45 =	vtrunc.f32 v27  }
0x50: {  	v49 =	vadd.f32 $5.000000000e-01, v23;
	v48 =	vtrunc.f32 v34;
	v16 =	vcvt.f32.s32 v16  }
0x51: {  	v44 =	vld [tilespmem:$0x170];
	v26 =	vcvt.f32.s32 v26;
	v63 =	vadd.s32 $0x1, v38;
	v38 =	vsub.f32 $1.000000000e+00, v11  }
0x52: {  	[tilespmem:$0x4E0] =	vst v11;
	v41 =	vld [tilespmem:$0x1D0];
	v11 =	vsub.f32 $1.000000000e+00, v20;
	v54 =	vtrunc.f32 v49;
	v49 =	vmul.f32 $2.000000030e-01, v35  }
0x53: {  	v53 =	vmul.u32 $0x5, v16;
	v56 =	vcvt.f32.s32 v54;
	v51 =	vadd.s32 $0x1, v47  }
0x54: {  	v16 =	vsel vm12, $0x3F800000, v0;
	v26 =	vmul.u32 $0x5, v26;
	v37 =	vcvt.s32.f32 v51  }
0x55: {  	[tilespmem:$0x420] =	vst v8;
	v8 =	vsub.f32 $1.000000000e+00, v16;
	vm13 =	veq.s32 v53, v22;
	v58 =	vmul.u32 $0x5, v56  }
0x56: {  	v52 =	vld [tilespmem:$0x190];
	v22 =	vtrunc.f32 v36;
	v36 =	vadd.s32 $0x1, v44;
	vm7 =	veq.s32 v26, v25  }
0x57: {  	v25 =	vcvt.f32.s32 v48;
	v26 =	vadd.f32 $5.000000000e-01, v49;
	v49 =	vadd.s32 $0x1, v41  }
0x58: {  	v41 =	vsub.f32 $1.000000000e+00, v14;
	v18 =	vsel vm13, $0x3F800000, v0;
	v22 =	vcvt.f32.s32 v22  }
0x59: {  	v54 =	vld [tilespmem:$0x1A0];
	v24 =	vcvt.s32.f32 v36;
	v37 =	vmul.f32 $2.000000030e-01, v37;
	vm14 =	veq.s32 v58, v19  }
0x5a: {  	v19 =	vadd.f32 $5.000000000e-01, v33;
	v33 =	vsub.f32 $1.000000000e+00, v9;
	v25 =	vmul.u32 $0x5, v25  }
0x5b: {  	v26 =	vtrunc.f32 v26;
	v58 =	vadd.s32 $0x1, v52;
	v17 =	vsel vm14, $0x3F800000, v0  }
0x5c: {  	v22 =	vmul.u32 $0x5, v22;
	v50 =	vmul.f32 $2.000000030e-01, v24;
	v24 =	vsel vm7, $0x3F800000, v0  }
0x5d: {  	v26 =	vcvt.f32.s32 v26;
	v57 =	vadd.f32 $5.000000000e-01, v37;
	v27 =	vcvt.s32.f32 v58  }
0x5e: {  	v34 =	vadd.s32 $0x1, v54;
	v19 =	vtrunc.f32 v19;
	vm9 =	veq.s32 v25, v28  }
0x5f: {  	v60 =	vcvt.s32.f32 v34;
	[tilespmem:$0x450] =	vst v33;
	v33 =	vsub.f32 $1.000000000e+00, v17;
	v19 =	vcvt.f32.s32 v19  }
0x60: {  	vm6 =	veq.s32 v22, v61;
	v22 =	vcvt.f32.s32 v45;
	v53 =	vadd.f32 $5.000000000e-01, v50  }
0x61: {  	v54 =	vld [tilespmem:$0x200];
	v25 =	vsel vm9, $0x3F800000, v0;
	v26 =	vmul.u32 $0x5, v26;
	v59 =	vmul.f32 $2.000000030e-01, v27  }
0x62: {  	v45 =	vcvt.s32.f32 v39;
	v23 =	vsel vm6, $0x3F800000, v0;
	v40 =	vmul.u32 $0x5, v19  }
0x63: {  	v19 =	vsel vm4, $0x3F800000, v0;
	v22 =	vmul.u32 $0x5, v22;
	v55 =	vtrunc.f32 v53  }
0x64: {  	vm10 =	veq.s32 v26, v31;
	v62 =	vadd.f32 $5.000000000e-01, v59;
	v31 =	vmul.f32 $2.000000030e-01, v60  }
0x65: {  	[tilespmem:$0x440] =	vst v32;
	v53 =	vcvt.s32.f32 v43;
	v32 =	vsub.f32 $1.000000000e+00, v23;
	v56 =	vcvt.f32.s32 v55  }
0x66: {  	[tilespmem:$0x4F0] =	vst v10;
	v27 =	vsel vm10, $0x3F800000, v0;
	v59 =	vadd.s32 $0x1, v54;
	v10 =	vsub.f32 $1.000000000e+00, v19  }
0x67: {  	vm5 =	veq.s32 v40, v21;
	vm8 =	veq.s32 v22, v30;
	v30 =	vtrunc.f32 v57  }
0x68: {  	v40 =	vcvt.s32.f32 v63;
	v31 =	vadd.f32 $5.000000000e-01, v31;
	v61 =	vcvt.f32.s32 v30  }
0x69: {  	v21 =	vsel vm5, $0x3F800000, v0;
	v30 =	vtrunc.f32 v62;
	v62 =	vcvt.s32.f32 v59  }
0x6a: {  	v28 =	vmul.u32 $0x5, v56;
	v30 =	vcvt.f32.s32 v30;
	v40 =	vmul.f32 $2.000000030e-01, v40  }
0x6b: {  	v22 =	vsel vm8, $0x3F800000, v0;
	v44 =	vtrunc.f32 v31;
	v31 =	vmul.f32 $2.000000030e-01, v45  }
0x6c: {  	[tilespmem:$0x580] =	vst v14;
	v14 =	vsub.f32 $1.000000000e+00, v21;
	vm11 =	veq.s32 v28, v36;
	v28 =	vmul.u32 $0x5, v61  }
0x6d: {  	v46 =	vcvt.f32.s32 v44;
	v44 =	vcvt.s32.f32 v49;
	v26 =	vsel vm11, $0x3F800000, v0  }
0x6e: {  	v45 =	vld [tilespmem:$0x1F0];
	v30 =	vmul.u32 $0x5, v30;
	v40 =	vadd.f32 $5.000000000e-01, v40;
	v31 =	vadd.f32 $5.000000000e-01, v31  }
0x6f: {  	vm12 =	veq.s32 v28, v51;
	v35 =	vmul.u32 $0x5, v46;
	v52 =	vmul.f32 $2.000000030e-01, v44  }
0x70: {  	v44 =	vsub.f32 $1.000000000e+00, v12;
	v46 =	vmul.f32 $2.000000030e-01, v62;
	v28 =	vsel vm12, $0x3F800000, v0  }
0x71: {  	vm13 =	veq.s32 v30, v58;
	v47 =	vtrunc.f32 v40;
	v31 =	vtrunc.f32 v31  }
0x72: {  	v48 =	vcvt.f32.s32 v47;
	v30 =	vsel vm13, $0x3F800000, v0;
	vm14 =	veq.s32 v35, v34  }
0x73: {  	v51 =	vcvt.f32.s32 v31;
	v37 =	vadd.f32 $5.000000000e-01, v52;
	v45 =	vadd.s32 $0x1, v45  }
0x74: {  	v34 =	vmul.f32 $2.000000030e-01, v53;
	v31 =	vsel vm14, $0x3F800000, v0;
	v56 =	vcvt.s32.f32 v45  }
0x75: {  	v47 =	vld [tilespmem:$0x220];
	v50 =	vmul.u32 $0x5, v48;
	v55 =	vtrunc.f32 v37;
	v37 =	vsub.f32 $1.000000000e+00, v13  }
0x76: {  	[tilespmem:$0x480] =	vst v1;
	v35 =	vmul.u32 $0x5, v51;
	v57 =	vadd.f32 $5.000000000e-01, v34;
	v34 =	vsub.f32 $1.000000000e+00, v15  }
0x77: {  	[tilespmem:$0x400] =	vst v5;
	v60 =	vld [tilespmem:$0x210];
	v1 =	vcvt.f32.s32 v55;
	v58 =	vmul.f32 $2.000000030e-01, v56;
	vm15 =	veq.s32 v50, v63  }
0x78: {  	[tilespmem:$0x410] =	vst v4;
	v51 =	vld [tilespmem:$0x230];
	vm4 =	veq.s32 v35, v39;
	v4 =	vtrunc.f32 v57;
	v39 =	vsub.f32 $1.000000000e+00, v18  }
0x79: {  	[tilespmem:$0x490] =	vst v2;
	v5 =	vsel vm15, $0x3F800000, v0;
	v61 =	vmul.u32 $0x5, v1;
	v1 =	vsel vm4, $0x3F800000, v0  }
0x7a: {  	[tilespmem:$0x430] =	vst v29;
	v63 =	vcvt.f32.s32 v4;
	v2 =	vadd.f32 $5.000000000e-01, v58;
	v29 =	vadd.s32 $0x1, v47  }
0x7b: {  	[tilespmem:$0x4A0] =	vst v3;
	v4 =	vadd.f32 $5.000000000e-01, v46;
	v47 =	vsub.f32 $1.000000000e+00, v22;
	v53 =	vcvt.s32.f32 v29  }
0x7c: {  	[tilespmem:$0x470] =	vst v42;
	v42 =	vld [tilespmem:$0x260];
	vm5 =	veq.s32 v61, v49;
	v3 =	vmul.u32 $0x5, v63;
	v2 =	vtrunc.f32 v2  }
0x7d: {  	v46 =	vld [tilespmem:$0x270];
	v49 =	vadd.s32 $0x1, v60;
	v4 =	vtrunc.f32 v4;
	v56 =	vadd.s32 $0x1, v51  }
0x7e: {  	v54 =	vld [tilespmem:$0x240];
	[tilespmem:$0x640] =	vst v47;
	v47 =	vsub.f32 $1.000000000e+00, v5;
	v48 =	vcvt.f32.s32 v2;
	v50 =	vcvt.s32.f32 v49  }
0x7f: {  	[tilespmem:$0x4C0] =	vst v7;
	v60 =	vld [tilespmem:$0x250];
	v2 =	vsel vm5, $0x3F800000, v0;
	v4 =	vcvt.f32.s32 v4;
	v58 =	vcvt.s32.f32 v56  }
0x80: {  	[tilespmem:$0x4B0] =	vst v6;
	vm6 =	veq.s32 v3, v43;
	v43 =	vsub.f32 $1.000000000e+00, v24;
	v6 =	vmul.u32 $0x5, v48  }
0x81: {  	[tilespmem:$0x5B0] =	vst v15;
	v52 =	vmul.f32 $2.000000030e-01, v50;
	v3 =	vsel vm6, $0x3F800000, v0;
	v50 =	vadd.s32 $0x1, v42  }
0x82: {  	[tilespmem:$0x520] =	vst v37;
	v55 =	vmul.u32 $0x5, v4;
	v15 =	vadd.s32 $0x1, v46;
	v37 =	vcvt.s32.f32 v50  }
0x83: {  	[tilespmem:$0x4D0] =	vst v9;
	vm7 =	veq.s32 v6, v45;
	v9 =	vadd.f32 $5.000000000e-01, v52;
	v6 =	vmul.f32 $2.000000030e-01, v53  }
0x84: {  	[tilespmem:$0x590] =	vst v12;
	vm8 =	veq.s32 v55, v59;
	v59 =	vadd.s32 $0x1, v54;
	v36 =	vadd.s32 $0x1, v60  }
0x85: {  	[tilespmem:$0x5A0] =	vst v13;
	v46 =	vld [tilespmem:$0x2C0];
	v52 =	vsub.f32 $1.000000000e+00, v25;
	v54 =	vcvt.s32.f32 v15;
	v55 =	vsub.f32 $1.000000000e+00, v27  }
0x86: {  	[tilespmem:$0x5F0] =	vst v20;
	v4 =	vsel vm7, $0x3F800000, v0;
	v62 =	vcvt.s32.f32 v59;
	v45 =	vcvt.s32.f32 v36  }
0x87: {  	[tilespmem:$0x460] =	vst v38;
	v53 =	vmul.f32 $2.000000030e-01, v37;
	v37 =	vsub.f32 $1.000000000e+00, v30;
	v57 =	vtrunc.f32 v9  }
0x88: {  	[tilespmem:$0x500] =	vst v41;
	v60 =	vld [tilespmem:$0x290];
	v6 =	vadd.f32 $5.000000000e-01, v6;
	v9 =	vmul.f32 $2.000000030e-01, v58;
	v58 =	vsub.f32 $1.000000000e+00, v26  }
0x89: {  	[tilespmem:$0x560] =	vst v33;
	v7 =	vcvt.f32.s32 v57;
	v41 =	vmul.f32 $2.000000030e-01, v62;
	v57 =	vadd.f32 $5.000000000e-01, v53  }
0x8a: {  	[tilespmem:$0x650] =	vst v52;
	v62 =	vsub.f32 $1.000000000e+00, v28;
	v52 =	vadd.s32 $0x1, v46;
	v61 =	vtrunc.f32 v6  }
0x8b: {  	[tilespmem:$0x660] =	vst v55;
	v6 =	vsel vm8, $0x3F800000, v0;
	v9 =	vadd.f32 $5.000000000e-01, v9;
	v55 =	vcvt.s32.f32 v52  }
0x8c: {  	v40 =	vld [tilespmem:$0x2B0];
	[tilespmem:$0x510] =	vst v44;
	v7 =	vmul.u32 $0x5, v7;
	v63 =	vcvt.f32.s32 v61;
	v44 =	vadd.f32 $5.000000000e-01, v41  }
0x8d: {  	[tilespmem:$0x670] =	vst v58;
	v58 =	vld [tilespmem:$0x2E0];
	v35 =	vadd.s32 $0x1, v60;
	v41 =	vsub.f32 $1.000000000e+00, v31;
	v33 =	vsub.f32 $1.000000000e+00, v6  }
0x8e: {  	[tilespmem:$0x550] =	vst v39;
	v9 =	vtrunc.f32 v9;
	v39 =	vcvt.s32.f32 v35;
	vm9 =	veq.s32 v7, v49  }
0x8f: {  	[tilespmem:$0x5C0] =	vst v16;
	v12 =	vmul.u32 $0x5, v63;
	v9 =	vcvt.f32.s32 v9;
	v48 =	vtrunc.f32 v44  }
0x90: {  	[tilespmem:$0x540] =	vst v8;
	v7 =	vsel vm9, $0x3F800000, v0;
	v49 =	vcvt.f32.s32 v48;
	v44 =	vmul.f32 $2.000000030e-01, v39  }
0x91: {  	[tilespmem:$0x6A0] =	vst v23;
	v51 =	vld [tilespmem:$0x280];
	v48 =	vadd.s32 $0x1, v40;
	vm10 =	veq.s32 v12, v29;
	v9 =	vmul.u32 $0x5, v9  }
0x92: {  	[tilespmem:$0x6F0] =	vst v26;
	v12 =	vmul.f32 $2.000000030e-01, v45;
	v23 =	vcvt.s32.f32 v48;
	v26 =	vadd.s32 $0x1, v58  }
0x93: {  	[tilespmem:$0x710] =	vst v37;
	v37 =	vsub.f32 $1.000000000e+00, v7;
	v8 =	vsel vm10, $0x3F800000, v0;
	v16 =	vmul.u32 $0x5, v49  }
0x94: {  	[tilespmem:$0x6B0] =	vst v24;
	v24 =	vadd.f32 $5.000000000e-01, v44;
	vm11 =	veq.s32 v9, v56;
	v12 =	vadd.f32 $5.000000000e-01, v12  }
0x95: {  	[tilespmem:$0x570] =	vst v11;
	v53 =	vld [tilespmem:$0x2D0];
	v23 =	vmul.f32 $2.000000030e-01, v23;
	v9 =	vsel vm11, $0x3F800000, v0;
	vm12 =	veq.s32 v16, v59  }
0x96: {  	[tilespmem:$0x5D0] =	vst v18;
	v44 =	vld [tilespmem:$0x310];
	v16 =	vmul.f32 $2.000000030e-01, v54;
	v59 =	vadd.s32 $0x1, v51;
	v49 =	vtrunc.f32 v24  }
0x97: {  	[tilespmem:$0x730] =	vst v47;
	v47 =	vld [tilespmem:$0x320];
	v51 =	vsub.f32 $1.000000000e+00, v2;
	v12 =	vtrunc.f32 v12;
	v61 =	vcvt.s32.f32 v59  }
0x98: {  	[tilespmem:$0x600] =	vst v10;
	v10 =	vsel vm12, $0x3F800000, v0;
	v23 =	vadd.f32 $5.000000000e-01, v23;
	v56 =	vcvt.f32.s32 v12  }
0x99: {  	[tilespmem:$0x5E0] =	vst v17;
	v12 =	vtrunc.f32 v57;
	v16 =	vadd.f32 $5.000000000e-01, v16;
	v57 =	vmul.f32 $2.000000030e-01, v55  }
0x9a: {  	[tilespmem:$0x6D0] =	vst v25;
	v46 =	vsub.f32 $1.000000000e+00, v10;
	v12 =	vcvt.f32.s32 v12;
	v63 =	vmul.f32 $2.000000030e-01, v61  }
0x9b: {  	[tilespmem:$0x680] =	vst v19;
	v23 =	vtrunc.f32 v23;
	v61 =	vadd.s32 $0x1, v53;
	v25 =	vadd.s32 $0x1, v44  }
0x9c: {  	[tilespmem:$0x620] =	vst v32;
	v53 =	vadd.s32 $0x1, v47;
	v11 =	vmul.u32 $0x5, v56;
	v16 =	vtrunc.f32 v16  }
0x9d: {  	[tilespmem:$0x6E0] =	vst v27;
	v56 =	vsub.f32 $1.000000000e+00, v3;
	v60 =	vcvt.f32.s32 v23;
	v12 =	vmul.u32 $0x5, v12  }
0x9e: {  	[tilespmem:$0x690] =	vst v21;
	v16 =	vcvt.f32.s32 v16;
	v38 =	vadd.f32 $5.000000000e-01, v63;
	vm13 =	veq.s32 v11, v36;
	v36 =	vld [tilespmem:$0x2A0]  }
0x9f: {  	[tilespmem:$0x700] =	vst v62;
	v62 =	vcvt.s32.f32 v61;
	v21 =	vmul.u32 $0x5, v60;
	v11 =	vsel vm13, $0x3F800000, v0  }
0xa0: {  	[tilespmem:$0x630] =	vst v43;
	vm14 =	veq.s32 v12, v50;
	v42 =	vmul.u32 $0x5, v16;
	v43 =	vtrunc.f32 v38  }
0xa1: {  	[tilespmem:$0x6C0] =	vst v22;
	v63 =	vld [tilespmem:$0x2F0];
	v50 =	vsub.f32 $1.000000000e+00, v1;
	v16 =	vcvt.f32.s32 v43;
	v12 =	vsel vm14, $0x3F800000, v0  }
0xa2: {  	[tilespmem:$0x610] =	vst v14;
	vm7 =	veq.s32 v21, v48;
	v43 =	vsub.f32 $1.000000000e+00, v9;
	v48 =	vsub.f32 $1.000000000e+00, v11  }
0xa3: {  	[tilespmem:$0x7B0] =	vst v5;
	vm15 =	veq.s32 v42, v15;
	v16 =	vmul.u32 $0x5, v16;
	v45 =	vadd.s32 $0x1, v36  }
0xa4: {  	[tilespmem:$0x740] =	vst v50;
	v5 =	vsel vm7, $0x3F800000, v0;
	v42 =	vsub.f32 $1.000000000e+00, v8;
	v50 =	vld [tilespmem:$0x330];
	v14 =	vcvt.s32.f32 v45  }
0xa5: {  	[tilespmem:$0x750] =	vst v51;
	v51 =	vsub.f32 $1.000000000e+00, v12;
	v36 =	vld [tilespmem:$0x300];
	vm4 =	veq.s32 v16, v59;
	v16 =	vcvt.f32.s32 v49  }
0xa6: {  	[tilespmem:$0x720] =	vst v41;
	v13 =	vsel vm15, $0x3F800000, v0;
	v39 =	vadd.s32 $0x1, v63;
	v14 =	vmul.f32 $2.000000030e-01, v14  }
0xa7: {  	[tilespmem:$0x760] =	vst v56;
	v41 =	vcvt.s32.f32 v39;
	v56 =	vsub.f32 $1.000000000e+00, v13;
	v16 =	vmul.u32 $0x5, v16  }
0xa8: {  	[tilespmem:$0x780] =	vst v28;
	v59 =	vsub.f32 $1.000000000e+00, v4;
	v49 =	vcvt.s32.f32 v25;
	v14 =	vadd.f32 $5.000000000e-01, v14  }
0xa9: {  	[tilespmem:$0x790] =	vst v30;
	vm5 =	veq.s32 v16, v35;
	v16 =	vadd.f32 $5.000000000e-01, v57;
	v35 =	vcvt.s32.f32 v26  }
0xaa: {  	[tilespmem:$0x7A0] =	vst v31;
	v21 =	vadd.s32 $0x1, v36;
	v57 =	vadd.s32 $0x1, v50;
	v36 =	vsub.f32 $1.000000000e+00, v5  }
0xab: {  	[tilespmem:$0x770] =	vst v59;
	v15 =	vsel vm5, $0x3F800000, v0;
	v59 =	vcvt.s32.f32 v57;
	v54 =	vtrunc.f32 v14  }
0xac: {  	[tilespmem:$0x530] =	vst v34;
	v14 =	vsel vm4, $0x3F800000, v0;
	v16 =	vtrunc.f32 v16;
	v38 =	vmul.f32 $2.000000030e-01, v35  }
0xad: {  	[tilespmem:$0x7C0] =	vst v1;
	v63 =	vsub.f32 $1.000000000e+00, v15;
	v20 =	vcvt.f32.s32 v54;
	v34 =	vcvt.f32.s32 v16  }
0xae: {  	[tilespmem:$0x8B0] =	vst v9;
	v54 =	vcvt.s32.f32 v53;
	v9 =	vmul.f32 $2.000000030e-01, v59;
	v17 =	vadd.f32 $5.000000000e-01, v38  }
0xaf: {  	[tilespmem:$0x7D0] =	vst v2;
	v60 =	vsub.f32 $1.000000000e+00, v14;
	v20 =	vmul.u32 $0x5, v20;
	v30 =	vmul.u32 $0x5, v34  }
0xb0: {  	[tilespmem:$0x7E0] =	vst v3;
	v18 =	vmul.f32 $2.000000030e-01, v54;
	v9 =	vadd.f32 $5.000000000e-01, v9;
	v17 =	vtrunc.f32 v17  }
0xb1: {  	[tilespmem:$0x7F0] =	vst v4;
	v54 =	vld [tilespmem:$0x390];
	vm6 =	veq.s32 v20, v45;
	v20 =	vmul.f32 $2.000000030e-01, v62;
	v45 =	vcvt.s32.f32 v21  }
0xb2: {  	[tilespmem:$0x810] =	vst v37;
	v37 =	vld [tilespmem:$0x370];
	vm8 =	veq.s32 v30, v52;
	v17 =	vcvt.f32.s32 v17;
	v9 =	vtrunc.f32 v9  }
0xb3: {  	[tilespmem:$0x880] =	vst v6;
	v62 =	vld [tilespmem:$0x350];
	v16 =	vsel vm6, $0x3F800000, v0;
	v3 =	vsel vm8, $0x3F800000, v0;
	v32 =	vcvt.f32.s32 v9  }
0xb4: {  	[tilespmem:$0x800] =	vst v33;
	v30 =	vld [tilespmem:$0x360];
	v20 =	vadd.f32 $5.000000000e-01, v20;
	v19 =	vmul.f32 $2.000000030e-01, v45;
	v17 =	vmul.u32 $0x5, v17  }
0xb5: {  	[tilespmem:$0x840] =	vst v46;
	v29 =	vsub.f32 $1.000000000e+00, v16;
	v46 =	vsub.f32 $1.000000000e+00, v3;
	v38 =	vmul.u32 $0x5, v32  }
0xb6: {  	[tilespmem:$0x8C0] =	vst v10;
	v10 =	vadd.s32 $0x1, v54;
	v40 =	vtrunc.f32 v20;
	v20 =	vmul.f32 $2.000000030e-01, v41  }
0xb7: {  	[tilespmem:$0x890] =	vst v7;
	v19 =	vadd.f32 $5.000000000e-01, v19;
	vm10 =	veq.s32 v17, v26;
	v17 =	vmul.f32 $2.000000030e-01, v49  }
0xb8: {  	[tilespmem:$0x8A0] =	vst v8;
	v49 =	vadd.s32 $0x1, v37;
	v22 =	vcvt.s32.f32 v10;
	v1 =	vcvt.f32.s32 v40  }
0xb9: {  	[tilespmem:$0x820] =	vst v42;
	v23 =	vsel vm10, $0x3F800000, v0;
	v31 =	vadd.s32 $0x1, v62;
	v42 =	vadd.s32 $0x1, v30  }
0xba: {  	[tilespmem:$0x8D0] =	vst v11;
	vm15 =	veq.s32 v38, v57;
	v20 =	vadd.f32 $5.000000000e-01, v20;
	v19 =	vtrunc.f32 v19  }
0xbb: {  	[tilespmem:$0x8E0] =	vst v12;
	v17 =	vadd.f32 $5.000000000e-01, v17;
	v34 =	vcvt.s32.f32 v31;
	v44 =	vcvt.s32.f32 v42  }
0xbc: {  	[tilespmem:$0x850] =	vst v48;
	v38 =	vld [tilespmem:$0x3E0];
	v50 =	vsel vm15, $0x3F800000, v0;
	v1 =	vmul.u32 $0x5, v1;
	v52 =	vcvt.f32.s32 v19  }
0xbd: {  	[tilespmem:$0x860] =	vst v51;
	v51 =	vsub.f32 $1.000000000e+00, v23;
	v20 =	vtrunc.f32 v20;
	v58 =	vtrunc.f32 v17  }
0xbe: {  	[tilespmem:$0x9E0] =	vst v23;
	v23 =	vld [tilespmem:$0x3B0];
	v40 =	vmul.f32 $2.000000030e-01, v34;
	v48 =	vmul.f32 $2.000000030e-01, v44;
	vm9 =	veq.s32 v1, v61  }
0xbf: {  	[tilespmem:$0x830] =	vst v43;
	v20 =	vcvt.f32.s32 v20;
	v7 =	vmul.u32 $0x5, v52;
	v61 =	vadd.f32 $5.000000000e-01, v18  }
0xc0: {  	v55 =	vld [tilespmem:$0x340];
	[tilespmem:$0x9B0] =	vst v5;
	v18 =	vcvt.s32.f32 v49;
	v6 =	vsel vm9, $0x3F800000, v0;
	v43 =	vadd.f32 $5.000000000e-01, v40  }
0xc1: {  	[tilespmem:$0x8F0] =	vst v13;
	v4 =	vadd.f32 $5.000000000e-01, v48;
	v48 =	vadd.s32 $0x1, v38;
	v20 =	vmul.u32 $0x5, v20  }
0xc2: {  	[tilespmem:$0x870] =	vst v56;
	vm12 =	veq.s32 v7, v21;
	v7 =	vcvt.f32.s32 v58;
	v26 =	vtrunc.f32 v61  }
0xc3: {  	[tilespmem:$0x990] =	vst v15;
	v59 =	vld [tilespmem:$0x3A0];
	v47 =	vsub.f32 $1.000000000e+00, v6;
	v52 =	vmul.f32 $2.000000030e-01, v18;
	v30 =	vadd.s32 $0x1, v23  }
0xc4: {  	[tilespmem:$0x930] =	vst v36;
	v28 =	vsel vm12, $0x3F800000, v0;
	v1 =	vtrunc.f32 v43;
	v4 =	vtrunc.f32 v4  }
0xc5: {  	[tilespmem:$0x980] =	vst v14;
	v32 =	vcvt.s32.f32 v30;
	vm11 =	veq.s32 v20, v39;
	v20 =	vadd.s32 $0x1, v55  }
0xc6: {  	[tilespmem:$0x910] =	vst v63;
	v21 =	vmul.u32 $0x5, v7;
	v7 =	vcvt.f32.s32 v26;
	v1 =	vcvt.f32.s32 v1  }
0xc7: {  	[tilespmem:$0xAB0] =	vst v50;
	v57 =	vcvt.f32.s32 v4;
	v58 =	vadd.f32 $5.000000000e-01, v52;
	v61 =	vsub.f32 $1.000000000e+00, v28  }
0xc8: {  	v4 =	vadd.s32 $0x1, v59;
	[tilespmem:$0xA80] =	vst v28;
	v28 =	vsub.f32 $1.000000000e+00, v50;
	v50 =	vcvt.s32.f32 v48  }
0xc9: {  	[tilespmem:$0x900] =	vst v60;
	v45 =	vld [tilespmem:$0x380];
	v2 =	vsel vm11, $0x3F800000, v0;
	v27 =	vcvt.s32.f32 v20;
	v26 =	vcvt.s32.f32 v4  }
0xca: {  	[tilespmem:$0x9A0] =	vst v16;
	v43 =	vld [tilespmem:$0x3F0];
	v13 =	vmul.f32 $2.000000030e-01, v32;
	vm13 =	veq.s32 v21, v25;
	v7 =	vmul.u32 $0x5, v7  }
0xcb: {  	[tilespmem:$0x9C0] =	vst v3;
	v1 =	vmul.u32 $0x5, v1;
	v60 =	vsub.f32 $1.000000000e+00, v2;
	v3 =	vtrunc.f32 v58  }
0xcc: {  	[tilespmem:$0x920] =	vst v29;
	v52 =	vmul.f32 $2.000000030e-01, v50;
	v17 =	vmul.f32 $2.000000030e-01, v27;
	v35 =	vsel vm13, $0x3F800000, v0  }
0xcd: {  	[tilespmem:$0x940] =	vst v46;
	v3 =	vcvt.f32.s32 v3;
	v13 =	vadd.f32 $5.000000000e-01, v13;
	vm14 =	veq.s32 v7, v53  }
0xce: {  	[tilespmem:$0x960] =	vst v51;
	v53 =	vadd.s32 $0x1, v45;
	vm5 =	veq.s32 v1, v31;
	v62 =	vsub.f32 $1.000000000e+00, v35  }
0xcf: {  	[tilespmem:$0x9D0] =	vst v6;
	v1 =	vmul.u32 $0x5, v57;
	v7 =	vmul.f32 $2.000000030e-01, v26;
	v51 =	vadd.s32 $0x1, v43  }
0xd0: {  	[tilespmem:$0x950] =	vst v47;
	v33 =	vadd.f32 $5.000000000e-01, v17;
	v41 =	vsel vm14, $0x3F800000, v0;
	v56 =	vcvt.s32.f32 v53  }
0xd1: {  	[tilespmem:$0x9F0] =	vst v2;
	v21 =	vsel vm5, $0x3F800000, v0;
	v3 =	vmul.u32 $0x5, v3;
	vm6 =	veq.s32 v1, v42  }
0xd2: {  	[tilespmem:$0xA00] =	vst v61;
	v31 =	vld [tilespmem:$0x3C0];
	v1 =	vmul.f32 $2.000000030e-01, v22;
	v27 =	vsub.f32 $1.000000000e+00, v41;
	v7 =	vadd.f32 $5.000000000e-01, v7  }
0xd3: {  	[tilespmem:$0xA90] =	vst v35;
	v35 =	vsub.f32 $1.000000000e+00, v21;
	v42 =	vtrunc.f32 v13;
	v39 =	vtrunc.f32 v33  }
0xd4: {  	[tilespmem:$0xA30] =	vst v28;
	v18 =	vmul.f32 $2.000000030e-01, v56;
	v25 =	vsel vm6, $0x3F800000, v0;
	vm7 =	veq.s32 v3, v49  }
0xd5: {  	[tilespmem:$0x970] =	vst v60;
	v3 =	vadd.f32 $5.000000000e-01, v52;
	v8 =	vcvt.f32.s32 v39;
	v1 =	vadd.f32 $5.000000000e-01, v1  }
0xd6: {  	[tilespmem:$0xA10] =	vst v62;
	v33 =	vsel vm7, $0x3F800000, v0;
	v7 =	vtrunc.f32 v7;
	v36 =	vsub.f32 $1.000000000e+00, v25  }
0xd7: {  	[tilespmem:$0xAA0] =	vst v41;
	v63 =	vadd.f32 $5.000000000e-01, v18;
	v7 =	vcvt.f32.s32 v7;
	v12 =	vadd.s32 $0x1, v31  }
0xd8: {  	[tilespmem:$0xAD0] =	vst v21;
	v46 =	vsub.f32 $1.000000000e+00, v33;
	v3 =	vtrunc.f32 v3;
	v1 =	vtrunc.f32 v1  }
0xd9: {  	[tilespmem:$0xA20] =	vst v27;
	v8 =	vmul.u32 $0x5, v8;
	v40 =	vcvt.s32.f32 v12;
	v3 =	vcvt.f32.s32 v3  }
0xda: {  	v34 =	vld [tilespmem:$0x3D0];
	[tilespmem:$0xA50] =	vst v35;
	v24 =	vtrunc.f32 v63;
	v1 =	vcvt.f32.s32 v1;
	v39 =	vmul.u32 $0x5, v7  }
0xdb: {  	[tilespmem:$0xAE0] =	vst v25;
	vm4 =	veq.s32 v8, v20;
	v5 =	vcvt.f32.s32 v24;
	v44 =	vmul.f32 $2.000000030e-01, v40  }
0xdc: {  	[tilespmem:$0xAF0] =	vst v33;
	v3 =	vmul.u32 $0x5, v3;
	v55 =	vsel vm4, $0x3F800000, v0;
	v1 =	vmul.u32 $0x5, v1  }
0xdd: {  	[tilespmem:$0xA60] =	vst v36;
	vm10 =	veq.s32 v39, v4;
	v29 =	vsub.f32 $1.000000000e+00, v55;
	v5 =	vmul.u32 $0x5, v5  }
0xde: {  	[tilespmem:$0xA70] =	vst v46;
	v49 =	vsel vm10, $0x3F800000, v0;
	vm14 =	veq.s32 v3, v48;
	vm9 =	veq.s32 v1, v10  }
0xdf: {  	[tilespmem:$0xAC0] =	vst v55;
	v10 =	vcvt.f32.s32 v42;
	vm8 =	veq.s32 v5, v53;
	v5 =	vadd.s32 $0x1, v34  }
0xe0: {  	v1 =	vadd.f32 $5.000000000e-01, v44;
	v55 =	vsub.f32 $1.000000000e+00, v49;
	[tilespmem:$0xBA0] =	vst v49;
	v45 =	vcvt.s32.f32 v5  }
0xe1: {  	v3 =	vsel vm14, $0x3F800000, v0;
	[tilespmem:$0xA40] =	vst v29;
	v53 =	vcvt.s32.f32 v51;
	v10 =	vmul.u32 $0x5, v10  }
0xe2: {  	v41 =	vsel vm9, $0x3F800000, v0;
	v62 =	vsub.f32 $1.000000000e+00, v3;
	[tilespmem:$0xBE0] =	vst v3;
	v4 =	vmul.f32 $2.000000030e-01, v45  }
0xe3: {  	v1 =	vtrunc.f32 v1;
	[tilespmem:$0xB90] =	vst v41;
	vm11 =	veq.s32 v10, v30;
	v10 =	vmul.f32 $2.000000030e-01, v53  }
0xe4: {  	v37 =	vsel vm8, $0x3F800000, v0;
	[tilespmem:$0xB20] =	vst v55;
	v1 =	vcvt.f32.s32 v1;
	v4 =	vadd.f32 $5.000000000e-01, v4  }
0xe5: {  	v54 =	vsub.f32 $1.000000000e+00, v41;
	[tilespmem:$0xB80] =	vst v37;
	v56 =	vadd.f32 $5.000000000e-01, v10  }
0xe6: {  	v47 =	vsub.f32 $1.000000000e+00, v37;
	[tilespmem:$0xB60] =	vst v62;
	v1 =	vmul.u32 $0x5, v1;
	v4 =	vtrunc.f32 v4  }
0xe7: {  	[tilespmem:$0xB10] =	vst v54;
	v11 =	vsel vm11, $0x3F800000, v0;
	v59 =	vtrunc.f32 v56;
	v4 =	vcvt.f32.s32 v4  }
0xe8: {  	[tilespmem:$0xB00] =	vst v47;
	v57 =	vsub.f32 $1.000000000e+00, v11;
	vm12 =	veq.s32 v1, v12;
	v2 =	vcvt.f32.s32 v59  }
0xe9: {  	[tilespmem:$0xBB0] =	vst v11;
	v58 =	vsel vm12, $0x3F800000, v0;
	v4 =	vmul.u32 $0x5, v4  }
0xea: {  	[tilespmem:$0xB30] =	vst v57;
	v60 =	vsub.f32 $1.000000000e+00, v58;
	v2 =	vmul.u32 $0x5, v2  }
0xeb: {  	[tilespmem:$0xBC0] =	vst v58;
	vm13 =	veq.s32 v4, v5  }
0xec: {  	[tilespmem:$0xB40] =	vst v60;
	vm15 =	veq.s32 v2, v51;
	v4 =	vsel vm13, $0x3F800000, v0  }
0xed: {  	v0 =	vsel vm15, $0x3F800000, v0;
	v61 =	vsub.f32 $1.000000000e+00, v4;
	[tilespmem:$0xBD0] =	vst v4  }
0xee: {  	v63 =	vsub.f32 $1.000000000e+00, v0;
	[tilespmem:$0xBF0] =	vst v0  }
0xef: {  	s30 =	sshll.u32 s1, $0x8;
	[tilespmem:$0xB50] =	vst v61  }
0xf0: {  	s31 =	simm.s32 $0x400;
	s3 =	sadd.s32 s3, s30;
	[tilespmem:$0xB70] =	vst v63  }
0xf1: {  	[hbm4b:s3+s2] =	stream.linear.scatter [tilespmem:s31], [sflag:$0x1], $0x800, $0x38;
	[tilespmem:$0xC00] =	vst v63  }
0xf2: {  	_ =	swait.ge [sflag:s29], $0x800  }
0xf3: {  	[sflag:s29] =	ssyncset.done $0x0  }
0xf4: {  	[sflag:s29] =	ssyncadd.s32 $0xFFFFF800  }
0xf5: {  	_ =	sfence.sel $0x180000  }
0xf6: {  	[bflag:$0x0] =	sbarrier.arrive $0xFFFF  }
0xf7: {  	p0 =	sne.s32 s1, $0x0;
	_ =	strace $0x90000047  }
0xf8: {  	s0 =	sadd.s32 @!p0 $0x100000, s0;
	[bflag:$0x2] =	sbarrier.arrive $0xFFFF  }
0xf9: {  	[sflag:s0] =	ssyncadd.tile.s32 @!p0 $0x1;
	_ =	shalt  }
.Lfunc_end2:
_tile_overlayer_lowered:
.L_overlay_start_2:
0xfa: {  	(tag) =	ssettag $0x2  }
0xfb: {  	s0 =	rddreg [dreg:$0x0];
	s2 =	stileid.u32  }
0xfc: {  	s1 =	rddreg [dreg:$0x1];
	p0 =	sne.s32 s2, $0x0  }
0xfd: {  	s3 =	rddreg [dreg:$0x2];
	[bflag:$0x3] =	sbarrier.arrive $0xFFFF;
	s2 =	simm.s32 @!p0 $0x1C01  }
0xfe: {  	[timem:s3], [sflag:s2] =	dma.local @!p0 [hbm:s0], s1  }
0xff: {  	s0 =	simm.s32 @!p0 $0x1  }
0x100: {  	_ =	swait.ge @!p0 [sflag:s0], s1  }
0x101: {  	s1 =	ssub.s32 @!p0 $0x0, s1;
	[sflag:s0] =	ssyncset.done @!p0 $0x0  }
0x102: {  	[sflag:s0] =	ssyncadd.s32 @!p0 s1  }
0x103: {  	[bflag:$0x3] =	sbarrier.arrive $0xFFFF  }
0x104: {  	_ =	shalt  }

</sc_bundles>
